<compile_context>
chip_gen: v7x
topology: tpu7x:2x2x1
jax: 0.10.2.dev20260603
libtpu: 0.0.44.dev20260713+nightly
codegen_flags: <defaults>
</compile_context>

<pallas_src>
import functools

import jax
import jax.numpy as jnp
from jax import lax
from jax.experimental import pallas as pl
from jax.experimental.pallas import tpu as pltpu
from jax.experimental.pallas import tpu_sc as plsc

N_VOCAB = 1000000
EMBED_DIM = 32
BATCH = 16384
N_FIELDS = 26

NC = 2
NS = 16
NW = NC * NS
L = 16

S_PER_W = BATCH // NW
CHUNK = 32
N_CHUNKS = S_PER_W // CHUNK
IDX_PER_CHUNK = CHUNK * N_FIELDS
IDX_PER_W = S_PER_W * N_FIELDS
SUB_N = IDX_PER_CHUNK
SUBS = IDX_PER_CHUNK // SUB_N


def _fm_body(x_hbm, w0_hbm, bias_hbm, emb_hbm, out_hbm,
             xidx, embv, biasv, logits, stage, w0v, sem):
    wid = lax.axis_index("s") * NC + lax.axis_index("c")
    base_idx = pl.multiple_of(wid * IDX_PER_W, IDX_PER_W)

    pltpu.sync_copy(x_hbm.at[pl.ds(base_idx, IDX_PER_W)], xidx)
    pltpu.sync_copy(w0_hbm, w0v)

    lane = jnp.arange(L, dtype=jnp.int32)

    def _streams(c, b):
        coff = pl.multiple_of(c * IDX_PER_CHUNK, IDX_PER_CHUNK)
        ops = []
        for j in range(SUBS):
            n = SUB_N
            o = j * SUB_N
            idx_ref = xidx.at[pl.ds(coff + o, n)]
            ops.append((emb_hbm.at[idx_ref], embv.at[b, pl.ds(o, n)]))
            ops.append((bias_hbm.at[idx_ref], biasv.at[b, pl.ds(o, n)]))
        return ops

    def _issue(c, b):
        for src, dst in _streams(c, b):
            pltpu.async_copy(src, dst, sem)

    def _drain(c, b):
        for src, dst in _streams(c, b):
            pltpu.make_async_copy(src, dst, sem).wait()

    _issue(0, 0)
    w0vec = w0v[...]

    @pl.loop(0, N_CHUNKS)
    def _chunk(c):
        b = lax.rem(c, 2)
        _drain(c, b)

        @pl.when(c + 1 < N_CHUNKS)
        def _():
            _issue(c + 1, 1 - b)

        @pl.loop(0, CHUNK)
        def _sample(i):
            kb = i * N_FIELDS
            s0 = jnp.zeros((L,), jnp.float32)
            s1 = jnp.zeros((L,), jnp.float32)
            q0 = jnp.zeros((L,), jnp.float32)
            q1 = jnp.zeros((L,), jnp.float32)
            for f in range(N_FIELDS):
                r0 = embv[b, kb + f, pl.ds(0, L)]
                r1 = embv[b, kb + f, pl.ds(L, L)]
                s0 = s0 + r0
                q0 = q0 + r0 * r0
                s1 = s1 + r1
                q1 = q1 + r1 * r1
            u = (s0 * s0 - q0) + (s1 * s1 - q1)
            stage[i, pl.ds(0, L)] = u

        for g in range(CHUNK // L):
            rows = g * L + lane
            pair = jnp.zeros((L,), jnp.float32)
            for d in range(L):
                pair = pair + plsc.load_gather(
                    stage, [rows, jnp.full((L,), d, jnp.int32)])
            bsum = jnp.zeros((L,), jnp.float32)
            brow = rows * N_FIELDS
            for f in range(N_FIELDS):
                bsum = bsum + plsc.load_gather(biasv.at[b], [brow + f])
            z = 0.5 * pair + bsum + w0vec
            out16 = 5.5 / (1.0 + jnp.exp(-z))
            off = pl.multiple_of(c * CHUNK + g * L, L)
            logits[pl.ds(off, L)] = out16

    out_base = pl.multiple_of(wid * S_PER_W, S_PER_W)
    pltpu.sync_copy(logits, out_hbm.at[pl.ds(out_base, S_PER_W)])


_fm_call = pl.kernel(
    _fm_body,
    out_type=jax.ShapeDtypeStruct((BATCH,), jnp.float32),
    mesh=plsc.VectorSubcoreMesh(core_axis_name="c", subcore_axis_name="s"),
    scratch_types=[
        pltpu.VMEM((IDX_PER_W,), jnp.int32),
        pltpu.VMEM((2, IDX_PER_CHUNK, EMBED_DIM), jnp.float32),
        pltpu.VMEM((2, IDX_PER_CHUNK), jnp.float32),
        pltpu.VMEM((S_PER_W,), jnp.float32),
        pltpu.VMEM((CHUNK, 17), jnp.float32),
        pltpu.VMEM((L,), jnp.float32),
        pltpu.SemaphoreType.DMA,
    ],
    compiler_params=pltpu.CompilerParams(
        needs_layout_passes=False, use_tc_tiling_on_sc=False),
)


def kernel(X, w0, bias_table, emb_table):
    x_flat = X.reshape(-1).astype(jnp.int32)
    bias_flat = bias_table.reshape(-1)
    w0v = jnp.broadcast_to(w0.astype(jnp.float32), (L,))
    return _fm_call(x_flat, w0v, bias_flat, emb_table)

# --- scband reference (transcript-rebuilt; emitter-appended) ---
"""Pipeline reference for scband-factorization-machine-27968827031771 (READ-ONLY COPY).

The authoritative reference and input builder live on the scoring server;
editing this copy changes nothing except your own understanding.
"""

import jax, jax.numpy as jnp
import numpy as np

N_VOCAB = 1000000
EMBED_DIM = 32
BATCH = 16384
N_FIELDS = 26


def setup_inputs(seed: int = 0) -> dict:
    key = jax.random.key(seed)
    k1, k2, k3 = jax.random.split(key, 3)
    X = jax.random.randint(k1, (BATCH, N_FIELDS), 0, N_VOCAB)
    # truncated normal init, std=0.01 (mimics torch trunc_(normal(..., std=0.01)))
    emb_table = jax.random.truncated_normal(k2, -2.0, 2.0, (N_VOCAB, EMBED_DIM), dtype=jnp.float32) * 0.01
    bias_table = jax.random.truncated_normal(k3, -2.0, 2.0, (N_VOCAB, 1), dtype=jnp.float32) * 0.01
    w0 = jnp.zeros((1,), dtype=jnp.float32)
    return {"X": X, "w0": w0, "bias_table": bias_table, "emb_table": emb_table}


def reference(X, w0, bias_table, emb_table):
    # embedding gather: [B, F, k]
    emb = jnp.take(emb_table, X, axis=0)
    pow_of_sum = jnp.sum(emb, axis=1) ** 2          # [B, k]
    sum_of_pow = jnp.sum(emb ** 2, axis=1)          # [B, k]
    pairwise = jnp.sum(pow_of_sum - sum_of_pow, axis=1) * 0.5  # [B]
    bias = jnp.sum(jnp.take(bias_table, X, axis=0).squeeze(-1), axis=1)  # [B]
    return jax.nn.sigmoid(w0 + bias + pairwise) * 5.5  # [B]

if __name__ == "__main__":
    import jax
    _d = setup_inputs()
    print(jax.jit(kernel)(*tuple(_d.values())))

</pallas_src>

<mosaic_0001>
#map = affine_map<(d0, d1) -> (0)>
#map1 = affine_map<(d0, d1) -> (0, 0)>
module attributes {stable_mosaic.version = 14 : i64} {
  func.func @_fm_body(%arg0: i32, %arg1: i32, %arg2: memref<425984xi32, #tpu.memory_space<hbm>>, %arg3: memref<16xf32, #tpu.memory_space<hbm>>, %arg4: memref<1000000xf32, #tpu.memory_space<hbm>>, %arg5: memref<1000000x32xf32, #tpu.memory_space<hbm>>, %arg6: memref<16384xf32, #tpu.memory_space<hbm>>, %arg7: memref<13312xi32, #tpu.memory_space<vmem>>, %arg8: memref<2x832x32xf32, #tpu.memory_space<vmem>>, %arg9: memref<2x832xf32, #tpu.memory_space<vmem>>, %arg10: memref<512xf32, #tpu.memory_space<vmem>>, %arg11: memref<32x17xf32, #tpu.memory_space<vmem>>, %arg12: memref<16xf32, #tpu.memory_space<vmem>>, %arg13: memref<!tpu.dma_semaphore, #tpu.memory_space<semaphore_mem>>) attributes {dimension_semantics = [#tpu.dimension_semantics<core_parallel>, #tpu.dimension_semantics<subcore_parallel>], iteration_bounds = array<i64: 2, 16>, scalar_prefetch = 0 : i64, scratch_operands = 7 : i64, tpu.core_type = #tpu.core_type<sc_vector_subcore>, window_params = [{transform_indices = #map}, {transform_indices = #map}, {transform_indices = #map}, {transform_indices = #map1}, {transform_indices = #map}]} {
    %mul3A = arith.constant 2 : i32
    %mul3A_0 = arith.muli %arg1, %mul3A : i32
    %add3A = arith.addi %mul3A_0, %arg0 : i32
    %mul3A_1 = arith.constant 13312 : i32
    %mul3A_2 = arith.muli %add3A, %mul3A_1 : i32
    %multiple_of3A = tpu.assume_multiple %mul3A_2, 13312 : i32
    "tpu.region"() ({
      %run_scoped3A = tpu.sem_alloc : memref<!tpu.dma_semaphore, #tpu.memory_space<semaphore_mem>>
      %dma_start3A_30 = tpu.memref_slice %arg2[%multiple_of3A] : memref<425984xi32, #tpu.memory_space<hbm>> -> memref<13312xi32, #tpu.memory_space<hbm>>
      %dma_start3A_31 = tpu.memref_slice %arg2[%multiple_of3A] : memref<425984xi32, #tpu.memory_space<hbm>> -> memref<13312xi32, #tpu.memory_space<hbm>>
      tpu.enqueue_dma source(%dma_start3A_31 : memref<13312xi32, #tpu.memory_space<hbm>>) target(%arg7 : memref<13312xi32, #tpu.memory_space<vmem>>) target_semaphore(%run_scoped3A : memref<!tpu.dma_semaphore, #tpu.memory_space<semaphore_mem>>)
      %dma_wait3A = tpu.memref_slice %arg2[%multiple_of3A] : memref<425984xi32, #tpu.memory_space<hbm>> -> memref<13312xi32, #tpu.memory_space<hbm>>
      %dma_wait3A_32 = tpu.memref_slice %arg2[%multiple_of3A] : memref<425984xi32, #tpu.memory_space<hbm>> -> memref<13312xi32, #tpu.memory_space<hbm>>
      tpu.wait_dma2 semaphore(%run_scoped3A : memref<!tpu.dma_semaphore, #tpu.memory_space<semaphore_mem>>) src(%dma_wait3A_32 : memref<13312xi32, #tpu.memory_space<hbm>>) dst(%arg7 : memref<13312xi32, #tpu.memory_space<vmem>>)
      tpu.yield
    }) : () -> ()
    "tpu.region"() ({
      %run_scoped3A = tpu.sem_alloc : memref<!tpu.dma_semaphore, #tpu.memory_space<semaphore_mem>>
      tpu.enqueue_dma source(%arg3 : memref<16xf32, #tpu.memory_space<hbm>>) target(%arg12 : memref<16xf32, #tpu.memory_space<vmem>>) target_semaphore(%run_scoped3A : memref<!tpu.dma_semaphore, #tpu.memory_space<semaphore_mem>>)
      tpu.wait_dma2 semaphore(%run_scoped3A : memref<!tpu.dma_semaphore, #tpu.memory_space<semaphore_mem>>) src(%arg3 : memref<16xf32, #tpu.memory_space<hbm>>) dst(%arg12 : memref<16xf32, #tpu.memory_space<vmem>>)
      tpu.yield
    }) : () -> ()
    %iota3A = tpu.iota {dimensions = array<i32: 0>} : vector<16xi32>
    %multiple_of3A_3 = arith.constant 0 : i32
    %multiple_of3A_4 = tpu.assume_multiple %multiple_of3A_3, 832 : i32
    %add3A_5 = arith.constant 0 : i32
    %add3A_6 = arith.addi %multiple_of3A_4, %add3A_5 : i32
    %dma_start3A = arith.constant 0 : i32
    %dma_start3A_7 = arith.constant 0 : i32
    %dma_start3A_8 = arith.constant 0 : i32
    %dma_start3A_9 = tpu.memref_slice %arg8[%dma_start3A, %dma_start3A_7, %dma_start3A_8] : memref<2x832x32xf32, #tpu.memory_space<vmem>> -> memref<1x832x32xf32, #tpu.memory_space<vmem>>
    %dma_start3A_10 = tpu.memref_squeeze %dma_start3A_9 : memref<1x832x32xf32, #tpu.memory_space<vmem>> -> memref<832x32xf32, #tpu.memory_space<vmem>>
    %dma_start3A_11 = tpu.memref_slice %arg7[%add3A_6] : memref<13312xi32, #tpu.memory_space<vmem>> -> memref<832xi32, #tpu.memory_space<vmem>>
    %dma_start3A_12 = arith.constant 0 : i32
    %dma_start3A_13 = arith.constant 0 : i32
    %dma_start3A_14 = tpu.memref_slice %arg5[%dma_start3A_12, %dma_start3A_13] : memref<1000000x32xf32, #tpu.memory_space<hbm>> -> memref<1000000x32xf32, #tpu.memory_space<hbm>>
    tpu.enqueue_indirect_dma source(%dma_start3A_14 : memref<1000000x32xf32, #tpu.memory_space<hbm>>) target(%dma_start3A_10 : memref<832x32xf32, #tpu.memory_space<vmem>>) offsets(%dma_start3A_11 : memref<832xi32, #tpu.memory_space<vmem>>) semaphore(%arg13 : memref<!tpu.dma_semaphore, #tpu.memory_space<semaphore_mem>>)
    %dma_start3A_15 = arith.constant 0 : i32
    %dma_start3A_16 = arith.constant 0 : i32
    %dma_start3A_17 = tpu.memref_slice %arg9[%dma_start3A_15, %dma_start3A_16] : memref<2x832xf32, #tpu.memory_space<vmem>> -> memref<1x832xf32, #tpu.memory_space<vmem>>
    %dma_start3A_18 = tpu.memref_squeeze %dma_start3A_17 : memref<1x832xf32, #tpu.memory_space<vmem>> -> memref<832xf32, #tpu.memory_space<vmem>>
    %dma_start3A_19 = tpu.memref_slice %arg7[%add3A_6] : memref<13312xi32, #tpu.memory_space<vmem>> -> memref<832xi32, #tpu.memory_space<vmem>>
    %dma_start3A_20 = arith.constant 0 : i32
    %dma_start3A_21 = tpu.memref_slice %arg4[%dma_start3A_20] : memref<1000000xf32, #tpu.memory_space<hbm>> -> memref<1000000xf32, #tpu.memory_space<hbm>>
    tpu.enqueue_indirect_dma source(%dma_start3A_21 : memref<1000000xf32, #tpu.memory_space<hbm>>) target(%dma_start3A_18 : memref<832xf32, #tpu.memory_space<vmem>>) offsets(%dma_start3A_19 : memref<832xi32, #tpu.memory_space<vmem>>) semaphore(%arg13 : memref<!tpu.dma_semaphore, #tpu.memory_space<semaphore_mem>>)
    %get3A = arith.constant 0 : index
    %get3A_22 = tpu.vector_load %arg12[%get3A] {strides = array<i32>} : memref<16xf32, #tpu.memory_space<vmem>>, vector<16xf32>,
    %scan3A = arith.constant 0 : i32
    %scan3A_23 = arith.constant 16 : i32
    %scan3A_24 = arith.addi %scan3A, %scan3A_23 : i32
    %scan3A_25 = arith.constant 1 : i32
    scf.for %scan3A_30 = %scan3A to %scan3A_24 step %scan3A_25  : i32 {
      %mul3A_31 = arith.constant 1 : i32
      %mul3A_32 = arith.muli %scan3A_30, %mul3A_31 : i32
      %add3A_33 = arith.constant 0 : i32
      %add3A_34 = arith.addi %add3A_33, %mul3A_32 : i32
      %rem3A = arith.constant 2 : i32
      %rem3A_35 = arith.remsi %add3A_34, %rem3A : i32
      %mul3A_36 = arith.constant 832 : i32
      %mul3A_37 = arith.muli %add3A_34, %mul3A_36 : i32
      %multiple_of3A_38 = tpu.assume_multiple %mul3A_37, 832 : i32
      %add3A_39 = arith.constant 0 : i32
      %add3A_40 = arith.addi %multiple_of3A_38, %add3A_39 : i32
      %dma_wait3A = arith.constant 0 : i32
      %dma_wait3A_41 = arith.constant 0 : i32
      %dma_wait3A_42 = tpu.memref_slice %arg8[%rem3A_35, %dma_wait3A, %dma_wait3A_41] : memref<2x832x32xf32, #tpu.memory_space<vmem>> -> memref<1x832x32xf32, #tpu.memory_space<vmem>>
      %dma_wait3A_43 = tpu.memref_squeeze %dma_wait3A_42 : memref<1x832x32xf32, #tpu.memory_space<vmem>> -> memref<832x32xf32, #tpu.memory_space<vmem>>
      %dma_wait3A_44 = tpu.memref_slice %arg7[%add3A_40] : memref<13312xi32, #tpu.memory_space<vmem>> -> memref<832xi32, #tpu.memory_space<vmem>>
      %dma_wait3A_45 = arith.constant 0 : i32
      %dma_wait3A_46 = arith.constant 0 : i32
      %dma_wait3A_47 = tpu.memref_slice %arg5[%dma_wait3A_45, %dma_wait3A_46] : memref<1000000x32xf32, #tpu.memory_space<hbm>> -> memref<1000000x32xf32, #tpu.memory_space<hbm>>
      tpu.wait_indirect_dma semaphore(%arg13 : memref<!tpu.dma_semaphore, #tpu.memory_space<semaphore_mem>>) src(%dma_wait3A_47 : memref<1000000x32xf32, #tpu.memory_space<hbm>>) dst(%dma_wait3A_43 : memref<832x32xf32, #tpu.memory_space<vmem>>)
      %dma_wait3A_48 = arith.constant 0 : i32
      %dma_wait3A_49 = tpu.memref_slice %arg9[%rem3A_35, %dma_wait3A_48] : memref<2x832xf32, #tpu.memory_space<vmem>> -> memref<1x832xf32, #tpu.memory_space<vmem>>
      %dma_wait3A_50 = tpu.memref_squeeze %dma_wait3A_49 : memref<1x832xf32, #tpu.memory_space<vmem>> -> memref<832xf32, #tpu.memory_space<vmem>>
      %dma_wait3A_51 = tpu.memref_slice %arg7[%add3A_40] : memref<13312xi32, #tpu.memory_space<vmem>> -> memref<832xi32, #tpu.memory_space<vmem>>
      %dma_wait3A_52 = arith.constant 0 : i32
      %dma_wait3A_53 = tpu.memref_slice %arg4[%dma_wait3A_52] : memref<1000000xf32, #tpu.memory_space<hbm>> -> memref<1000000xf32, #tpu.memory_space<hbm>>
      tpu.wait_indirect_dma semaphore(%arg13 : memref<!tpu.dma_semaphore, #tpu.memory_space<semaphore_mem>>) src(%dma_wait3A_53 : memref<1000000xf32, #tpu.memory_space<hbm>>) dst(%dma_wait3A_50 : memref<832xf32, #tpu.memory_space<vmem>>)
      %add3A_54 = arith.constant 1 : i32
      %add3A_55 = arith.addi %add3A_34, %add3A_54 : i32
      %lt3A = arith.constant 16 : i32
      %lt3A_56 = arith.cmpi slt, %add3A_55, %lt3A : i32
      %convert_element_type3A = arith.extui %lt3A_56 : i1 to i32
      %cond3A = arith.constant 0 : i32
      %cond3A_57 = arith.cmpi ne, %convert_element_type3A, %cond3A : i32
      scf.if %cond3A_57 {
        %add3A_665 = arith.constant 1 : i32
        %add3A_666 = arith.addi %add3A_34, %add3A_665 : i32
        %sub3A = arith.constant 1 : i32
        %sub3A_667 = arith.subi %sub3A, %rem3A_35 : i32
        %mul3A_668 = arith.constant 832 : i32
        %mul3A_669 = arith.muli %add3A_666, %mul3A_668 : i32
        %multiple_of3A_670 = tpu.assume_multiple %mul3A_669, 832 : i32
        %add3A_671 = arith.constant 0 : i32
        %add3A_672 = arith.addi %multiple_of3A_670, %add3A_671 : i32
        %dma_start3A_673 = arith.constant 0 : i32
        %dma_start3A_674 = arith.constant 0 : i32
        %dma_start3A_675 = tpu.memref_slice %arg8[%sub3A_667, %dma_start3A_673, %dma_start3A_674] : memref<2x832x32xf32, #tpu.memory_space<vmem>> -> memref<1x832x32xf32, #tpu.memory_space<vmem>>
        %dma_start3A_676 = tpu.memref_squeeze %dma_start3A_675 : memref<1x832x32xf32, #tpu.memory_space<vmem>> -> memref<832x32xf32, #tpu.memory_space<vmem>>
        %dma_start3A_677 = tpu.memref_slice %arg7[%add3A_672] : memref<13312xi32, #tpu.memory_space<vmem>> -> memref<832xi32, #tpu.memory_space<vmem>>
        %dma_start3A_678 = arith.constant 0 : i32
        %dma_start3A_679 = arith.constant 0 : i32
        %dma_start3A_680 = tpu.memref_slice %arg5[%dma_start3A_678, %dma_start3A_679] : memref<1000000x32xf32, #tpu.memory_space<hbm>> -> memref<1000000x32xf32, #tpu.memory_space<hbm>>
        tpu.enqueue_indirect_dma source(%dma_start3A_680 : memref<1000000x32xf32, #tpu.memory_space<hbm>>) target(%dma_start3A_676 : memref<832x32xf32, #tpu.memory_space<vmem>>) offsets(%dma_start3A_677 : memref<832xi32, #tpu.memory_space<vmem>>) semaphore(%arg13 : memref<!tpu.dma_semaphore, #tpu.memory_space<semaphore_mem>>)
        %dma_start3A_681 = arith.constant 0 : i32
        %dma_start3A_682 = tpu.memref_slice %arg9[%sub3A_667, %dma_start3A_681] : memref<2x832xf32, #tpu.memory_space<vmem>> -> memref<1x832xf32, #tpu.memory_space<vmem>>
        %dma_start3A_683 = tpu.memref_squeeze %dma_start3A_682 : memref<1x832xf32, #tpu.memory_space<vmem>> -> memref<832xf32, #tpu.memory_space<vmem>>
        %dma_start3A_684 = tpu.memref_slice %arg7[%add3A_672] : memref<13312xi32, #tpu.memory_space<vmem>> -> memref<832xi32, #tpu.memory_space<vmem>>
        %dma_start3A_685 = arith.constant 0 : i32
        %dma_start3A_686 = tpu.memref_slice %arg4[%dma_start3A_685] : memref<1000000xf32, #tpu.memory_space<hbm>> -> memref<1000000xf32, #tpu.memory_space<hbm>>
        tpu.enqueue_indirect_dma source(%dma_start3A_686 : memref<1000000xf32, #tpu.memory_space<hbm>>) target(%dma_start3A_683 : memref<832xf32, #tpu.memory_space<vmem>>) offsets(%dma_start3A_684 : memref<832xi32, #tpu.memory_space<vmem>>) semaphore(%arg13 : memref<!tpu.dma_semaphore, #tpu.memory_space<semaphore_mem>>)
      } else {
      }
      %scan3A_58 = arith.constant 0 : i32
      %scan3A_59 = arith.constant 32 : i32
      %scan3A_60 = arith.addi %scan3A_58, %scan3A_59 : i32
      %scan3A_61 = arith.constant 1 : i32
      scf.for %scan3A_665 = %scan3A_58 to %scan3A_60 step %scan3A_61  : i32 {
        %mul3A_666 = arith.constant 1 : i32
        %mul3A_667 = arith.muli %scan3A_665, %mul3A_666 : i32
        %add3A_668 = arith.constant 0 : i32
        %add3A_669 = arith.addi %add3A_668, %mul3A_667 : i32
        %mul3A_670 = arith.constant 26 : i32
        %mul3A_671 = arith.muli %add3A_669, %mul3A_670 : i32
        %broadcast_in_dim3A_672 = arith.constant 0.000000e+00 : f32
        %broadcast_in_dim3A_673 = vector.broadcast %broadcast_in_dim3A_672 : f32 to vector<16xf32>
        %broadcast_in_dim3A_674 = arith.constant 0.000000e+00 : f32
        %broadcast_in_dim3A_675 = vector.broadcast %broadcast_in_dim3A_674 : f32 to vector<16xf32>
        %broadcast_in_dim3A_676 = arith.constant 0.000000e+00 : f32
        %broadcast_in_dim3A_677 = vector.broadcast %broadcast_in_dim3A_676 : f32 to vector<16xf32>
        %broadcast_in_dim3A_678 = arith.constant 0.000000e+00 : f32
        %broadcast_in_dim3A_679 = vector.broadcast %broadcast_in_dim3A_678 : f32 to vector<16xf32>
        %add3A_680 = arith.constant 0 : i32
        %add3A_681 = arith.addi %mul3A_671, %add3A_680 : i32
        %get3A_682 = arith.index_cast %rem3A_35 : i32 to index
        %get3A_683 = arith.index_cast %add3A_681 : i32 to index
        %get3A_684 = arith.constant 0 : index
        %get3A_685 = tpu.vector_load %arg8[%get3A_682, %get3A_683, %get3A_684] {strides = array<i32>} : memref<2x832x32xf32, #tpu.memory_space<vmem>>, vector<16xf32>,
        %add3A_686 = arith.constant 0 : i32
        %add3A_687 = arith.addi %mul3A_671, %add3A_686 : i32
        %get3A_688 = arith.index_cast %rem3A_35 : i32 to index
        %get3A_689 = arith.index_cast %add3A_687 : i32 to index
        %get3A_690 = arith.constant 16 : index
        %get3A_691 = tpu.vector_load %arg8[%get3A_688, %get3A_689, %get3A_690] {strides = array<i32>} : memref<2x832x32xf32, #tpu.memory_space<vmem>>, vector<16xf32>,
        %add3A_692 = arith.addf %broadcast_in_dim3A_673, %get3A_685 : vector<16xf32>
        %mul3A_693 = arith.mulf %get3A_685, %get3A_685 : vector<16xf32>
        %add3A_694 = arith.addf %broadcast_in_dim3A_677, %mul3A_693 : vector<16xf32>
        %add3A_695 = arith.addf %broadcast_in_dim3A_675, %get3A_691 : vector<16xf32>
        %mul3A_696 = arith.mulf %get3A_691, %get3A_691 : vector<16xf32>
        %add3A_697 = arith.addf %broadcast_in_dim3A_679, %mul3A_696 : vector<16xf32>
        %add3A_698 = arith.constant 1 : i32
        %add3A_699 = arith.addi %mul3A_671, %add3A_698 : i32
        %get3A_700 = arith.index_cast %rem3A_35 : i32 to index
        %get3A_701 = arith.index_cast %add3A_699 : i32 to index
        %get3A_702 = arith.constant 0 : index
        %get3A_703 = tpu.vector_load %arg8[%get3A_700, %get3A_701, %get3A_702] {strides = array<i32>} : memref<2x832x32xf32, #tpu.memory_space<vmem>>, vector<16xf32>,
        %add3A_704 = arith.constant 1 : i32
        %add3A_705 = arith.addi %mul3A_671, %add3A_704 : i32
        %get3A_706 = arith.index_cast %rem3A_35 : i32 to index
        %get3A_707 = arith.index_cast %add3A_705 : i32 to index
        %get3A_708 = arith.constant 16 : index
        %get3A_709 = tpu.vector_load %arg8[%get3A_706, %get3A_707, %get3A_708] {strides = array<i32>} : memref<2x832x32xf32, #tpu.memory_space<vmem>>, vector<16xf32>,
        %add3A_710 = arith.addf %add3A_692, %get3A_703 : vector<16xf32>
        %mul3A_711 = arith.mulf %get3A_703, %get3A_703 : vector<16xf32>
        %add3A_712 = arith.addf %add3A_694, %mul3A_711 : vector<16xf32>
        %add3A_713 = arith.addf %add3A_695, %get3A_709 : vector<16xf32>
        %mul3A_714 = arith.mulf %get3A_709, %get3A_709 : vector<16xf32>
        %add3A_715 = arith.addf %add3A_697, %mul3A_714 : vector<16xf32>
        %add3A_716 = arith.constant 2 : i32
        %add3A_717 = arith.addi %mul3A_671, %add3A_716 : i32
        %get3A_718 = arith.index_cast %rem3A_35 : i32 to index
        %get3A_719 = arith.index_cast %add3A_717 : i32 to index
        %get3A_720 = arith.constant 0 : index
        %get3A_721 = tpu.vector_load %arg8[%get3A_718, %get3A_719, %get3A_720] {strides = array<i32>} : memref<2x832x32xf32, #tpu.memory_space<vmem>>, vector<16xf32>,
        %add3A_722 = arith.constant 2 : i32
        %add3A_723 = arith.addi %mul3A_671, %add3A_722 : i32
        %get3A_724 = arith.index_cast %rem3A_35 : i32 to index
        %get3A_725 = arith.index_cast %add3A_723 : i32 to index
        %get3A_726 = arith.constant 16 : index
        %get3A_727 = tpu.vector_load %arg8[%get3A_724, %get3A_725, %get3A_726] {strides = array<i32>} : memref<2x832x32xf32, #tpu.memory_space<vmem>>, vector<16xf32>,
        %add3A_728 = arith.addf %add3A_710, %get3A_721 : vector<16xf32>
        %mul3A_729 = arith.mulf %get3A_721, %get3A_721 : vector<16xf32>
        %add3A_730 = arith.addf %add3A_712, %mul3A_729 : vector<16xf32>
        %add3A_731 = arith.addf %add3A_713, %get3A_727 : vector<16xf32>
        %mul3A_732 = arith.mulf %get3A_727, %get3A_727 : vector<16xf32>
        %add3A_733 = arith.addf %add3A_715, %mul3A_732 : vector<16xf32>
        %add3A_734 = arith.constant 3 : i32
        %add3A_735 = arith.addi %mul3A_671, %add3A_734 : i32
        %get3A_736 = arith.index_cast %rem3A_35 : i32 to index
        %get3A_737 = arith.index_cast %add3A_735 : i32 to index
        %get3A_738 = arith.constant 0 : index
        %get3A_739 = tpu.vector_load %arg8[%get3A_736, %get3A_737, %get3A_738] {strides = array<i32>} : memref<2x832x32xf32, #tpu.memory_space<vmem>>, vector<16xf32>,
        %add3A_740 = arith.constant 3 : i32
        %add3A_741 = arith.addi %mul3A_671, %add3A_740 : i32
        %get3A_742 = arith.index_cast %rem3A_35 : i32 to index
        %get3A_743 = arith.index_cast %add3A_741 : i32 to index
        %get3A_744 = arith.constant 16 : index
        %get3A_745 = tpu.vector_load %arg8[%get3A_742, %get3A_743, %get3A_744] {strides = array<i32>} : memref<2x832x32xf32, #tpu.memory_space<vmem>>, vector<16xf32>,
        %add3A_746 = arith.addf %add3A_728, %get3A_739 : vector<16xf32>
        %mul3A_747 = arith.mulf %get3A_739, %get3A_739 : vector<16xf32>
        %add3A_748 = arith.addf %add3A_730, %mul3A_747 : vector<16xf32>
        %add3A_749 = arith.addf %add3A_731, %get3A_745 : vector<16xf32>
        %mul3A_750 = arith.mulf %get3A_745, %get3A_745 : vector<16xf32>
        %add3A_751 = arith.addf %add3A_733, %mul3A_750 : vector<16xf32>
        %add3A_752 = arith.constant 4 : i32
        %add3A_753 = arith.addi %mul3A_671, %add3A_752 : i32
        %get3A_754 = arith.index_cast %rem3A_35 : i32 to index
        %get3A_755 = arith.index_cast %add3A_753 : i32 to index
        %get3A_756 = arith.constant 0 : index
        %get3A_757 = tpu.vector_load %arg8[%get3A_754, %get3A_755, %get3A_756] {strides = array<i32>} : memref<2x832x32xf32, #tpu.memory_space<vmem>>, vector<16xf32>,
        %add3A_758 = arith.constant 4 : i32
        %add3A_759 = arith.addi %mul3A_671, %add3A_758 : i32
        %get3A_760 = arith.index_cast %rem3A_35 : i32 to index
        %get3A_761 = arith.index_cast %add3A_759 : i32 to index
        %get3A_762 = arith.constant 16 : index
        %get3A_763 = tpu.vector_load %arg8[%get3A_760, %get3A_761, %get3A_762] {strides = array<i32>} : memref<2x832x32xf32, #tpu.memory_space<vmem>>, vector<16xf32>,
        %add3A_764 = arith.addf %add3A_746, %get3A_757 : vector<16xf32>
        %mul3A_765 = arith.mulf %get3A_757, %get3A_757 : vector<16xf32>
        %add3A_766 = arith.addf %add3A_748, %mul3A_765 : vector<16xf32>
        %add3A_767 = arith.addf %add3A_749, %get3A_763 : vector<16xf32>
        %mul3A_768 = arith.mulf %get3A_763, %get3A_763 : vector<16xf32>
        %add3A_769 = arith.addf %add3A_751, %mul3A_768 : vector<16xf32>
        %add3A_770 = arith.constant 5 : i32
        %add3A_771 = arith.addi %mul3A_671, %add3A_770 : i32
        %get3A_772 = arith.index_cast %rem3A_35 : i32 to index
        %get3A_773 = arith.index_cast %add3A_771 : i32 to index
        %get3A_774 = arith.constant 0 : index
        %get3A_775 = tpu.vector_load %arg8[%get3A_772, %get3A_773, %get3A_774] {strides = array<i32>} : memref<2x832x32xf32, #tpu.memory_space<vmem>>, vector<16xf32>,
        %add3A_776 = arith.constant 5 : i32
        %add3A_777 = arith.addi %mul3A_671, %add3A_776 : i32
        %get3A_778 = arith.index_cast %rem3A_35 : i32 to index
        %get3A_779 = arith.index_cast %add3A_777 : i32 to index
        %get3A_780 = arith.constant 16 : index
        %get3A_781 = tpu.vector_load %arg8[%get3A_778, %get3A_779, %get3A_780] {strides = array<i32>} : memref<2x832x32xf32, #tpu.memory_space<vmem>>, vector<16xf32>,
        %add3A_782 = arith.addf %add3A_764, %get3A_775 : vector<16xf32>
        %mul3A_783 = arith.mulf %get3A_775, %get3A_775 : vector<16xf32>
        %add3A_784 = arith.addf %add3A_766, %mul3A_783 : vector<16xf32>
        %add3A_785 = arith.addf %add3A_767, %get3A_781 : vector<16xf32>
        %mul3A_786 = arith.mulf %get3A_781, %get3A_781 : vector<16xf32>
        %add3A_787 = arith.addf %add3A_769, %mul3A_786 : vector<16xf32>
        %add3A_788 = arith.constant 6 : i32
        %add3A_789 = arith.addi %mul3A_671, %add3A_788 : i32
        %get3A_790 = arith.index_cast %rem3A_35 : i32 to index
        %get3A_791 = arith.index_cast %add3A_789 : i32 to index
        %get3A_792 = arith.constant 0 : index
        %get3A_793 = tpu.vector_load %arg8[%get3A_790, %get3A_791, %get3A_792] {strides = array<i32>} : memref<2x832x32xf32, #tpu.memory_space<vmem>>, vector<16xf32>,
        %add3A_794 = arith.constant 6 : i32
        %add3A_795 = arith.addi %mul3A_671, %add3A_794 : i32
        %get3A_796 = arith.index_cast %rem3A_35 : i32 to index
        %get3A_797 = arith.index_cast %add3A_795 : i32 to index
        %get3A_798 = arith.constant 16 : index
        %get3A_799 = tpu.vector_load %arg8[%get3A_796, %get3A_797, %get3A_798] {strides = array<i32>} : memref<2x832x32xf32, #tpu.memory_space<vmem>>, vector<16xf32>,
        %add3A_800 = arith.addf %add3A_782, %get3A_793 : vector<16xf32>
        %mul3A_801 = arith.mulf %get3A_793, %get3A_793 : vector<16xf32>
        %add3A_802 = arith.addf %add3A_784, %mul3A_801 : vector<16xf32>
        %add3A_803 = arith.addf %add3A_785, %get3A_799 : vector<16xf32>
        %mul3A_804 = arith.mulf %get3A_799, %get3A_799 : vector<16xf32>
        %add3A_805 = arith.addf %add3A_787, %mul3A_804 : vector<16xf32>
        %add3A_806 = arith.constant 7 : i32
        %add3A_807 = arith.addi %mul3A_671, %add3A_806 : i32
        %get3A_808 = arith.index_cast %rem3A_35 : i32 to index
        %get3A_809 = arith.index_cast %add3A_807 : i32 to index
        %get3A_810 = arith.constant 0 : index
        %get3A_811 = tpu.vector_load %arg8[%get3A_808, %get3A_809, %get3A_810] {strides = array<i32>} : memref<2x832x32xf32, #tpu.memory_space<vmem>>, vector<16xf32>,
        %add3A_812 = arith.constant 7 : i32
        %add3A_813 = arith.addi %mul3A_671, %add3A_812 : i32
        %get3A_814 = arith.index_cast %rem3A_35 : i32 to index
        %get3A_815 = arith.index_cast %add3A_813 : i32 to index
        %get3A_816 = arith.constant 16 : index
        %get3A_817 = tpu.vector_load %arg8[%get3A_814, %get3A_815, %get3A_816] {strides = array<i32>} : memref<2x832x32xf32, #tpu.memory_space<vmem>>, vector<16xf32>,
        %add3A_818 = arith.addf %add3A_800, %get3A_811 : vector<16xf32>
        %mul3A_819 = arith.mulf %get3A_811, %get3A_811 : vector<16xf32>
        %add3A_820 = arith.addf %add3A_802, %mul3A_819 : vector<16xf32>
        %add3A_821 = arith.addf %add3A_803, %get3A_817 : vector<16xf32>
        %mul3A_822 = arith.mulf %get3A_817, %get3A_817 : vector<16xf32>
        %add3A_823 = arith.addf %add3A_805, %mul3A_822 : vector<16xf32>
        %add3A_824 = arith.constant 8 : i32
        %add3A_825 = arith.addi %mul3A_671, %add3A_824 : i32
        %get3A_826 = arith.index_cast %rem3A_35 : i32 to index
        %get3A_827 = arith.index_cast %add3A_825 : i32 to index
        %get3A_828 = arith.constant 0 : index
        %get3A_829 = tpu.vector_load %arg8[%get3A_826, %get3A_827, %get3A_828] {strides = array<i32>} : memref<2x832x32xf32, #tpu.memory_space<vmem>>, vector<16xf32>,
        %add3A_830 = arith.constant 8 : i32
        %add3A_831 = arith.addi %mul3A_671, %add3A_830 : i32
        %get3A_832 = arith.index_cast %rem3A_35 : i32 to index
        %get3A_833 = arith.index_cast %add3A_831 : i32 to index
        %get3A_834 = arith.constant 16 : index
        %get3A_835 = tpu.vector_load %arg8[%get3A_832, %get3A_833, %get3A_834] {strides = array<i32>} : memref<2x832x32xf32, #tpu.memory_space<vmem>>, vector<16xf32>,
        %add3A_836 = arith.addf %add3A_818, %get3A_829 : vector<16xf32>
        %mul3A_837 = arith.mulf %get3A_829, %get3A_829 : vector<16xf32>
        %add3A_838 = arith.addf %add3A_820, %mul3A_837 : vector<16xf32>
        %add3A_839 = arith.addf %add3A_821, %get3A_835 : vector<16xf32>
        %mul3A_840 = arith.mulf %get3A_835, %get3A_835 : vector<16xf32>
        %add3A_841 = arith.addf %add3A_823, %mul3A_840 : vector<16xf32>
        %add3A_842 = arith.constant 9 : i32
        %add3A_843 = arith.addi %mul3A_671, %add3A_842 : i32
        %get3A_844 = arith.index_cast %rem3A_35 : i32 to index
        %get3A_845 = arith.index_cast %add3A_843 : i32 to index
        %get3A_846 = arith.constant 0 : index
        %get3A_847 = tpu.vector_load %arg8[%get3A_844, %get3A_845, %get3A_846] {strides = array<i32>} : memref<2x832x32xf32, #tpu.memory_space<vmem>>, vector<16xf32>,
        %add3A_848 = arith.constant 9 : i32
        %add3A_849 = arith.addi %mul3A_671, %add3A_848 : i32
        %get3A_850 = arith.index_cast %rem3A_35 : i32 to index
        %get3A_851 = arith.index_cast %add3A_849 : i32 to index
        %get3A_852 = arith.constant 16 : index
        %get3A_853 = tpu.vector_load %arg8[%get3A_850, %get3A_851, %get3A_852] {strides = array<i32>} : memref<2x832x32xf32, #tpu.memory_space<vmem>>, vector<16xf32>,
        %add3A_854 = arith.addf %add3A_836, %get3A_847 : vector<16xf32>
        %mul3A_855 = arith.mulf %get3A_847, %get3A_847 : vector<16xf32>
        %add3A_856 = arith.addf %add3A_838, %mul3A_855 : vector<16xf32>
        %add3A_857 = arith.addf %add3A_839, %get3A_853 : vector<16xf32>
        %mul3A_858 = arith.mulf %get3A_853, %get3A_853 : vector<16xf32>
        %add3A_859 = arith.addf %add3A_841, %mul3A_858 : vector<16xf32>
        %add3A_860 = arith.constant 10 : i32
        %add3A_861 = arith.addi %mul3A_671, %add3A_860 : i32
        %get3A_862 = arith.index_cast %rem3A_35 : i32 to index
        %get3A_863 = arith.index_cast %add3A_861 : i32 to index
        %get3A_864 = arith.constant 0 : index
        %get3A_865 = tpu.vector_load %arg8[%get3A_862, %get3A_863, %get3A_864] {strides = array<i32>} : memref<2x832x32xf32, #tpu.memory_space<vmem>>, vector<16xf32>,
        %add3A_866 = arith.constant 10 : i32
        %add3A_867 = arith.addi %mul3A_671, %add3A_866 : i32
        %get3A_868 = arith.index_cast %rem3A_35 : i32 to index
        %get3A_869 = arith.index_cast %add3A_867 : i32 to index
        %get3A_870 = arith.constant 16 : index
        %get3A_871 = tpu.vector_load %arg8[%get3A_868, %get3A_869, %get3A_870] {strides = array<i32>} : memref<2x832x32xf32, #tpu.memory_space<vmem>>, vector<16xf32>,
        %add3A_872 = arith.addf %add3A_854, %get3A_865 : vector<16xf32>
        %mul3A_873 = arith.mulf %get3A_865, %get3A_865 : vector<16xf32>
        %add3A_874 = arith.addf %add3A_856, %mul3A_873 : vector<16xf32>
        %add3A_875 = arith.addf %add3A_857, %get3A_871 : vector<16xf32>
        %mul3A_876 = arith.mulf %get3A_871, %get3A_871 : vector<16xf32>
        %add3A_877 = arith.addf %add3A_859, %mul3A_876 : vector<16xf32>
        %add3A_878 = arith.constant 11 : i32
        %add3A_879 = arith.addi %mul3A_671, %add3A_878 : i32
        %get3A_880 = arith.index_cast %rem3A_35 : i32 to index
        %get3A_881 = arith.index_cast %add3A_879 : i32 to index
        %get3A_882 = arith.constant 0 : index
        %get3A_883 = tpu.vector_load %arg8[%get3A_880, %get3A_881, %get3A_882] {strides = array<i32>} : memref<2x832x32xf32, #tpu.memory_space<vmem>>, vector<16xf32>,
        %add3A_884 = arith.constant 11 : i32
        %add3A_885 = arith.addi %mul3A_671, %add3A_884 : i32
        %get3A_886 = arith.index_cast %rem3A_35 : i32 to index
        %get3A_887 = arith.index_cast %add3A_885 : i32 to index
        %get3A_888 = arith.constant 16 : index
        %get3A_889 = tpu.vector_load %arg8[%get3A_886, %get3A_887, %get3A_888] {strides = array<i32>} : memref<2x832x32xf32, #tpu.memory_space<vmem>>, vector<16xf32>,
        %add3A_890 = arith.addf %add3A_872, %get3A_883 : vector<16xf32>
        %mul3A_891 = arith.mulf %get3A_883, %get3A_883 : vector<16xf32>
        %add3A_892 = arith.addf %add3A_874, %mul3A_891 : vector<16xf32>
        %add3A_893 = arith.addf %add3A_875, %get3A_889 : vector<16xf32>
        %mul3A_894 = arith.mulf %get3A_889, %get3A_889 : vector<16xf32>
        %add3A_895 = arith.addf %add3A_877, %mul3A_894 : vector<16xf32>
        %add3A_896 = arith.constant 12 : i32
        %add3A_897 = arith.addi %mul3A_671, %add3A_896 : i32
        %get3A_898 = arith.index_cast %rem3A_35 : i32 to index
        %get3A_899 = arith.index_cast %add3A_897 : i32 to index
        %get3A_900 = arith.constant 0 : index
        %get3A_901 = tpu.vector_load %arg8[%get3A_898, %get3A_899, %get3A_900] {strides = array<i32>} : memref<2x832x32xf32, #tpu.memory_space<vmem>>, vector<16xf32>,
        %add3A_902 = arith.constant 12 : i32
        %add3A_903 = arith.addi %mul3A_671, %add3A_902 : i32
        %get3A_904 = arith.index_cast %rem3A_35 : i32 to index
        %get3A_905 = arith.index_cast %add3A_903 : i32 to index
        %get3A_906 = arith.constant 16 : index
        %get3A_907 = tpu.vector_load %arg8[%get3A_904, %get3A_905, %get3A_906] {strides = array<i32>} : memref<2x832x32xf32, #tpu.memory_space<vmem>>, vector<16xf32>,
        %add3A_908 = arith.addf %add3A_890, %get3A_901 : vector<16xf32>
        %mul3A_909 = arith.mulf %get3A_901, %get3A_901 : vector<16xf32>
        %add3A_910 = arith.addf %add3A_892, %mul3A_909 : vector<16xf32>
        %add3A_911 = arith.addf %add3A_893, %get3A_907 : vector<16xf32>
        %mul3A_912 = arith.mulf %get3A_907, %get3A_907 : vector<16xf32>
        %add3A_913 = arith.addf %add3A_895, %mul3A_912 : vector<16xf32>
        %add3A_914 = arith.constant 13 : i32
        %add3A_915 = arith.addi %mul3A_671, %add3A_914 : i32
        %get3A_916 = arith.index_cast %rem3A_35 : i32 to index
        %get3A_917 = arith.index_cast %add3A_915 : i32 to index
        %get3A_918 = arith.constant 0 : index
        %get3A_919 = tpu.vector_load %arg8[%get3A_916, %get3A_917, %get3A_918] {strides = array<i32>} : memref<2x832x32xf32, #tpu.memory_space<vmem>>, vector<16xf32>,
        %add3A_920 = arith.constant 13 : i32
        %add3A_921 = arith.addi %mul3A_671, %add3A_920 : i32
        %get3A_922 = arith.index_cast %rem3A_35 : i32 to index
        %get3A_923 = arith.index_cast %add3A_921 : i32 to index
        %get3A_924 = arith.constant 16 : index
        %get3A_925 = tpu.vector_load %arg8[%get3A_922, %get3A_923, %get3A_924] {strides = array<i32>} : memref<2x832x32xf32, #tpu.memory_space<vmem>>, vector<16xf32>,
        %add3A_926 = arith.addf %add3A_908, %get3A_919 : vector<16xf32>
        %mul3A_927 = arith.mulf %get3A_919, %get3A_919 : vector<16xf32>
        %add3A_928 = arith.addf %add3A_910, %mul3A_927 : vector<16xf32>
        %add3A_929 = arith.addf %add3A_911, %get3A_925 : vector<16xf32>
        %mul3A_930 = arith.mulf %get3A_925, %get3A_925 : vector<16xf32>
        %add3A_931 = arith.addf %add3A_913, %mul3A_930 : vector<16xf32>
        %add3A_932 = arith.constant 14 : i32
        %add3A_933 = arith.addi %mul3A_671, %add3A_932 : i32
        %get3A_934 = arith.index_cast %rem3A_35 : i32 to index
        %get3A_935 = arith.index_cast %add3A_933 : i32 to index
        %get3A_936 = arith.constant 0 : index
        %get3A_937 = tpu.vector_load %arg8[%get3A_934, %get3A_935, %get3A_936] {strides = array<i32>} : memref<2x832x32xf32, #tpu.memory_space<vmem>>, vector<16xf32>,
        %add3A_938 = arith.constant 14 : i32
        %add3A_939 = arith.addi %mul3A_671, %add3A_938 : i32
        %get3A_940 = arith.index_cast %rem3A_35 : i32 to index
        %get3A_941 = arith.index_cast %add3A_939 : i32 to index
        %get3A_942 = arith.constant 16 : index
        %get3A_943 = tpu.vector_load %arg8[%get3A_940, %get3A_941, %get3A_942] {strides = array<i32>} : memref<2x832x32xf32, #tpu.memory_space<vmem>>, vector<16xf32>,
        %add3A_944 = arith.addf %add3A_926, %get3A_937 : vector<16xf32>
        %mul3A_945 = arith.mulf %get3A_937, %get3A_937 : vector<16xf32>
        %add3A_946 = arith.addf %add3A_928, %mul3A_945 : vector<16xf32>
        %add3A_947 = arith.addf %add3A_929, %get3A_943 : vector<16xf32>
        %mul3A_948 = arith.mulf %get3A_943, %get3A_943 : vector<16xf32>
        %add3A_949 = arith.addf %add3A_931, %mul3A_948 : vector<16xf32>
        %add3A_950 = arith.constant 15 : i32
        %add3A_951 = arith.addi %mul3A_671, %add3A_950 : i32
        %get3A_952 = arith.index_cast %rem3A_35 : i32 to index
        %get3A_953 = arith.index_cast %add3A_951 : i32 to index
        %get3A_954 = arith.constant 0 : index
        %get3A_955 = tpu.vector_load %arg8[%get3A_952, %get3A_953, %get3A_954] {strides = array<i32>} : memref<2x832x32xf32, #tpu.memory_space<vmem>>, vector<16xf32>,
        %add3A_956 = arith.constant 15 : i32
        %add3A_957 = arith.addi %mul3A_671, %add3A_956 : i32
        %get3A_958 = arith.index_cast %rem3A_35 : i32 to index
        %get3A_959 = arith.index_cast %add3A_957 : i32 to index
        %get3A_960 = arith.constant 16 : index
        %get3A_961 = tpu.vector_load %arg8[%get3A_958, %get3A_959, %get3A_960] {strides = array<i32>} : memref<2x832x32xf32, #tpu.memory_space<vmem>>, vector<16xf32>,
        %add3A_962 = arith.addf %add3A_944, %get3A_955 : vector<16xf32>
        %mul3A_963 = arith.mulf %get3A_955, %get3A_955 : vector<16xf32>
        %add3A_964 = arith.addf %add3A_946, %mul3A_963 : vector<16xf32>
        %add3A_965 = arith.addf %add3A_947, %get3A_961 : vector<16xf32>
        %mul3A_966 = arith.mulf %get3A_961, %get3A_961 : vector<16xf32>
        %add3A_967 = arith.addf %add3A_949, %mul3A_966 : vector<16xf32>
        %add3A_968 = arith.constant 16 : i32
        %add3A_969 = arith.addi %mul3A_671, %add3A_968 : i32
        %get3A_970 = arith.index_cast %rem3A_35 : i32 to index
        %get3A_971 = arith.index_cast %add3A_969 : i32 to index
        %get3A_972 = arith.constant 0 : index
        %get3A_973 = tpu.vector_load %arg8[%get3A_970, %get3A_971, %get3A_972] {strides = array<i32>} : memref<2x832x32xf32, #tpu.memory_space<vmem>>, vector<16xf32>,
        %add3A_974 = arith.constant 16 : i32
        %add3A_975 = arith.addi %mul3A_671, %add3A_974 : i32
        %get3A_976 = arith.index_cast %rem3A_35 : i32 to index
        %get3A_977 = arith.index_cast %add3A_975 : i32 to index
        %get3A_978 = arith.constant 16 : index
        %get3A_979 = tpu.vector_load %arg8[%get3A_976, %get3A_977, %get3A_978] {strides = array<i32>} : memref<2x832x32xf32, #tpu.memory_space<vmem>>, vector<16xf32>,
        %add3A_980 = arith.addf %add3A_962, %get3A_973 : vector<16xf32>
        %mul3A_981 = arith.mulf %get3A_973, %get3A_973 : vector<16xf32>
        %add3A_982 = arith.addf %add3A_964, %mul3A_981 : vector<16xf32>
        %add3A_983 = arith.addf %add3A_965, %get3A_979 : vector<16xf32>
        %mul3A_984 = arith.mulf %get3A_979, %get3A_979 : vector<16xf32>
        %add3A_985 = arith.addf %add3A_967, %mul3A_984 : vector<16xf32>
        %add3A_986 = arith.constant 17 : i32
        %add3A_987 = arith.addi %mul3A_671, %add3A_986 : i32
        %get3A_988 = arith.index_cast %rem3A_35 : i32 to index
        %get3A_989 = arith.index_cast %add3A_987 : i32 to index
        %get3A_990 = arith.constant 0 : index
        %get3A_991 = tpu.vector_load %arg8[%get3A_988, %get3A_989, %get3A_990] {strides = array<i32>} : memref<2x832x32xf32, #tpu.memory_space<vmem>>, vector<16xf32>,
        %add3A_992 = arith.constant 17 : i32
        %add3A_993 = arith.addi %mul3A_671, %add3A_992 : i32
        %get3A_994 = arith.index_cast %rem3A_35 : i32 to index
        %get3A_995 = arith.index_cast %add3A_993 : i32 to index
        %get3A_996 = arith.constant 16 : index
        %get3A_997 = tpu.vector_load %arg8[%get3A_994, %get3A_995, %get3A_996] {strides = array<i32>} : memref<2x832x32xf32, #tpu.memory_space<vmem>>, vector<16xf32>,
        %add3A_998 = arith.addf %add3A_980, %get3A_991 : vector<16xf32>
        %mul3A_999 = arith.mulf %get3A_991, %get3A_991 : vector<16xf32>
        %add3A_1000 = arith.addf %add3A_982, %mul3A_999 : vector<16xf32>
        %add3A_1001 = arith.addf %add3A_983, %get3A_997 : vector<16xf32>
        %mul3A_1002 = arith.mulf %get3A_997, %get3A_997 : vector<16xf32>
        %add3A_1003 = arith.addf %add3A_985, %mul3A_1002 : vector<16xf32>
        %add3A_1004 = arith.constant 18 : i32
        %add3A_1005 = arith.addi %mul3A_671, %add3A_1004 : i32
        %get3A_1006 = arith.index_cast %rem3A_35 : i32 to index
        %get3A_1007 = arith.index_cast %add3A_1005 : i32 to index
        %get3A_1008 = arith.constant 0 : index
        %get3A_1009 = tpu.vector_load %arg8[%get3A_1006, %get3A_1007, %get3A_1008] {strides = array<i32>} : memref<2x832x32xf32, #tpu.memory_space<vmem>>, vector<16xf32>,
        %add3A_1010 = arith.constant 18 : i32
        %add3A_1011 = arith.addi %mul3A_671, %add3A_1010 : i32
        %get3A_1012 = arith.index_cast %rem3A_35 : i32 to index
        %get3A_1013 = arith.index_cast %add3A_1011 : i32 to index
        %get3A_1014 = arith.constant 16 : index
        %get3A_1015 = tpu.vector_load %arg8[%get3A_1012, %get3A_1013, %get3A_1014] {strides = array<i32>} : memref<2x832x32xf32, #tpu.memory_space<vmem>>, vector<16xf32>,
        %add3A_1016 = arith.addf %add3A_998, %get3A_1009 : vector<16xf32>
        %mul3A_1017 = arith.mulf %get3A_1009, %get3A_1009 : vector<16xf32>
        %add3A_1018 = arith.addf %add3A_1000, %mul3A_1017 : vector<16xf32>
        %add3A_1019 = arith.addf %add3A_1001, %get3A_1015 : vector<16xf32>
        %mul3A_1020 = arith.mulf %get3A_1015, %get3A_1015 : vector<16xf32>
        %add3A_1021 = arith.addf %add3A_1003, %mul3A_1020 : vector<16xf32>
        %add3A_1022 = arith.constant 19 : i32
        %add3A_1023 = arith.addi %mul3A_671, %add3A_1022 : i32
        %get3A_1024 = arith.index_cast %rem3A_35 : i32 to index
        %get3A_1025 = arith.index_cast %add3A_1023 : i32 to index
        %get3A_1026 = arith.constant 0 : index
        %get3A_1027 = tpu.vector_load %arg8[%get3A_1024, %get3A_1025, %get3A_1026] {strides = array<i32>} : memref<2x832x32xf32, #tpu.memory_space<vmem>>, vector<16xf32>,
        %add3A_1028 = arith.constant 19 : i32
        %add3A_1029 = arith.addi %mul3A_671, %add3A_1028 : i32
        %get3A_1030 = arith.index_cast %rem3A_35 : i32 to index
        %get3A_1031 = arith.index_cast %add3A_1029 : i32 to index
        %get3A_1032 = arith.constant 16 : index
        %get3A_1033 = tpu.vector_load %arg8[%get3A_1030, %get3A_1031, %get3A_1032] {strides = array<i32>} : memref<2x832x32xf32, #tpu.memory_space<vmem>>, vector<16xf32>,
        %add3A_1034 = arith.addf %add3A_1016, %get3A_1027 : vector<16xf32>
        %mul3A_1035 = arith.mulf %get3A_1027, %get3A_1027 : vector<16xf32>
        %add3A_1036 = arith.addf %add3A_1018, %mul3A_1035 : vector<16xf32>
        %add3A_1037 = arith.addf %add3A_1019, %get3A_1033 : vector<16xf32>
        %mul3A_1038 = arith.mulf %get3A_1033, %get3A_1033 : vector<16xf32>
        %add3A_1039 = arith.addf %add3A_1021, %mul3A_1038 : vector<16xf32>
        %add3A_1040 = arith.constant 20 : i32
        %add3A_1041 = arith.addi %mul3A_671, %add3A_1040 : i32
        %get3A_1042 = arith.index_cast %rem3A_35 : i32 to index
        %get3A_1043 = arith.index_cast %add3A_1041 : i32 to index
        %get3A_1044 = arith.constant 0 : index
        %get3A_1045 = tpu.vector_load %arg8[%get3A_1042, %get3A_1043, %get3A_1044] {strides = array<i32>} : memref<2x832x32xf32, #tpu.memory_space<vmem>>, vector<16xf32>,
        %add3A_1046 = arith.constant 20 : i32
        %add3A_1047 = arith.addi %mul3A_671, %add3A_1046 : i32
        %get3A_1048 = arith.index_cast %rem3A_35 : i32 to index
        %get3A_1049 = arith.index_cast %add3A_1047 : i32 to index
        %get3A_1050 = arith.constant 16 : index
        %get3A_1051 = tpu.vector_load %arg8[%get3A_1048, %get3A_1049, %get3A_1050] {strides = array<i32>} : memref<2x832x32xf32, #tpu.memory_space<vmem>>, vector<16xf32>,
        %add3A_1052 = arith.addf %add3A_1034, %get3A_1045 : vector<16xf32>
        %mul3A_1053 = arith.mulf %get3A_1045, %get3A_1045 : vector<16xf32>
        %add3A_1054 = arith.addf %add3A_1036, %mul3A_1053 : vector<16xf32>
        %add3A_1055 = arith.addf %add3A_1037, %get3A_1051 : vector<16xf32>
        %mul3A_1056 = arith.mulf %get3A_1051, %get3A_1051 : vector<16xf32>
        %add3A_1057 = arith.addf %add3A_1039, %mul3A_1056 : vector<16xf32>
        %add3A_1058 = arith.constant 21 : i32
        %add3A_1059 = arith.addi %mul3A_671, %add3A_1058 : i32
        %get3A_1060 = arith.index_cast %rem3A_35 : i32 to index
        %get3A_1061 = arith.index_cast %add3A_1059 : i32 to index
        %get3A_1062 = arith.constant 0 : index
        %get3A_1063 = tpu.vector_load %arg8[%get3A_1060, %get3A_1061, %get3A_1062] {strides = array<i32>} : memref<2x832x32xf32, #tpu.memory_space<vmem>>, vector<16xf32>,
        %add3A_1064 = arith.constant 21 : i32
        %add3A_1065 = arith.addi %mul3A_671, %add3A_1064 : i32
        %get3A_1066 = arith.index_cast %rem3A_35 : i32 to index
        %get3A_1067 = arith.index_cast %add3A_1065 : i32 to index
        %get3A_1068 = arith.constant 16 : index
        %get3A_1069 = tpu.vector_load %arg8[%get3A_1066, %get3A_1067, %get3A_1068] {strides = array<i32>} : memref<2x832x32xf32, #tpu.memory_space<vmem>>, vector<16xf32>,
        %add3A_1070 = arith.addf %add3A_1052, %get3A_1063 : vector<16xf32>
        %mul3A_1071 = arith.mulf %get3A_1063, %get3A_1063 : vector<16xf32>
        %add3A_1072 = arith.addf %add3A_1054, %mul3A_1071 : vector<16xf32>
        %add3A_1073 = arith.addf %add3A_1055, %get3A_1069 : vector<16xf32>
        %mul3A_1074 = arith.mulf %get3A_1069, %get3A_1069 : vector<16xf32>
        %add3A_1075 = arith.addf %add3A_1057, %mul3A_1074 : vector<16xf32>
        %add3A_1076 = arith.constant 22 : i32
        %add3A_1077 = arith.addi %mul3A_671, %add3A_1076 : i32
        %get3A_1078 = arith.index_cast %rem3A_35 : i32 to index
        %get3A_1079 = arith.index_cast %add3A_1077 : i32 to index
        %get3A_1080 = arith.constant 0 : index
        %get3A_1081 = tpu.vector_load %arg8[%get3A_1078, %get3A_1079, %get3A_1080] {strides = array<i32>} : memref<2x832x32xf32, #tpu.memory_space<vmem>>, vector<16xf32>,
        %add3A_1082 = arith.constant 22 : i32
        %add3A_1083 = arith.addi %mul3A_671, %add3A_1082 : i32
        %get3A_1084 = arith.index_cast %rem3A_35 : i32 to index
        %get3A_1085 = arith.index_cast %add3A_1083 : i32 to index
        %get3A_1086 = arith.constant 16 : index
        %get3A_1087 = tpu.vector_load %arg8[%get3A_1084, %get3A_1085, %get3A_1086] {strides = array<i32>} : memref<2x832x32xf32, #tpu.memory_space<vmem>>, vector<16xf32>,
        %add3A_1088 = arith.addf %add3A_1070, %get3A_1081 : vector<16xf32>
        %mul3A_1089 = arith.mulf %get3A_1081, %get3A_1081 : vector<16xf32>
        %add3A_1090 = arith.addf %add3A_1072, %mul3A_1089 : vector<16xf32>
        %add3A_1091 = arith.addf %add3A_1073, %get3A_1087 : vector<16xf32>
        %mul3A_1092 = arith.mulf %get3A_1087, %get3A_1087 : vector<16xf32>
        %add3A_1093 = arith.addf %add3A_1075, %mul3A_1092 : vector<16xf32>
        %add3A_1094 = arith.constant 23 : i32
        %add3A_1095 = arith.addi %mul3A_671, %add3A_1094 : i32
        %get3A_1096 = arith.index_cast %rem3A_35 : i32 to index
        %get3A_1097 = arith.index_cast %add3A_1095 : i32 to index
        %get3A_1098 = arith.constant 0 : index
        %get3A_1099 = tpu.vector_load %arg8[%get3A_1096, %get3A_1097, %get3A_1098] {strides = array<i32>} : memref<2x832x32xf32, #tpu.memory_space<vmem>>, vector<16xf32>,
        %add3A_1100 = arith.constant 23 : i32
        %add3A_1101 = arith.addi %mul3A_671, %add3A_1100 : i32
        %get3A_1102 = arith.index_cast %rem3A_35 : i32 to index
        %get3A_1103 = arith.index_cast %add3A_1101 : i32 to index
        %get3A_1104 = arith.constant 16 : index
        %get3A_1105 = tpu.vector_load %arg8[%get3A_1102, %get3A_1103, %get3A_1104] {strides = array<i32>} : memref<2x832x32xf32, #tpu.memory_space<vmem>>, vector<16xf32>,
        %add3A_1106 = arith.addf %add3A_1088, %get3A_1099 : vector<16xf32>
        %mul3A_1107 = arith.mulf %get3A_1099, %get3A_1099 : vector<16xf32>
        %add3A_1108 = arith.addf %add3A_1090, %mul3A_1107 : vector<16xf32>
        %add3A_1109 = arith.addf %add3A_1091, %get3A_1105 : vector<16xf32>
        %mul3A_1110 = arith.mulf %get3A_1105, %get3A_1105 : vector<16xf32>
        %add3A_1111 = arith.addf %add3A_1093, %mul3A_1110 : vector<16xf32>
        %add3A_1112 = arith.constant 24 : i32
        %add3A_1113 = arith.addi %mul3A_671, %add3A_1112 : i32
        %get3A_1114 = arith.index_cast %rem3A_35 : i32 to index
        %get3A_1115 = arith.index_cast %add3A_1113 : i32 to index
        %get3A_1116 = arith.constant 0 : index
        %get3A_1117 = tpu.vector_load %arg8[%get3A_1114, %get3A_1115, %get3A_1116] {strides = array<i32>} : memref<2x832x32xf32, #tpu.memory_space<vmem>>, vector<16xf32>,
        %add3A_1118 = arith.constant 24 : i32
        %add3A_1119 = arith.addi %mul3A_671, %add3A_1118 : i32
        %get3A_1120 = arith.index_cast %rem3A_35 : i32 to index
        %get3A_1121 = arith.index_cast %add3A_1119 : i32 to index
        %get3A_1122 = arith.constant 16 : index
        %get3A_1123 = tpu.vector_load %arg8[%get3A_1120, %get3A_1121, %get3A_1122] {strides = array<i32>} : memref<2x832x32xf32, #tpu.memory_space<vmem>>, vector<16xf32>,
        %add3A_1124 = arith.addf %add3A_1106, %get3A_1117 : vector<16xf32>
        %mul3A_1125 = arith.mulf %get3A_1117, %get3A_1117 : vector<16xf32>
        %add3A_1126 = arith.addf %add3A_1108, %mul3A_1125 : vector<16xf32>
        %add3A_1127 = arith.addf %add3A_1109, %get3A_1123 : vector<16xf32>
        %mul3A_1128 = arith.mulf %get3A_1123, %get3A_1123 : vector<16xf32>
        %add3A_1129 = arith.addf %add3A_1111, %mul3A_1128 : vector<16xf32>
        %add3A_1130 = arith.constant 25 : i32
        %add3A_1131 = arith.addi %mul3A_671, %add3A_1130 : i32
        %get3A_1132 = arith.index_cast %rem3A_35 : i32 to index
        %get3A_1133 = arith.index_cast %add3A_1131 : i32 to index
        %get3A_1134 = arith.constant 0 : index
        %get3A_1135 = tpu.vector_load %arg8[%get3A_1132, %get3A_1133, %get3A_1134] {strides = array<i32>} : memref<2x832x32xf32, #tpu.memory_space<vmem>>, vector<16xf32>,
        %add3A_1136 = arith.constant 25 : i32
        %add3A_1137 = arith.addi %mul3A_671, %add3A_1136 : i32
        %get3A_1138 = arith.index_cast %rem3A_35 : i32 to index
        %get3A_1139 = arith.index_cast %add3A_1137 : i32 to index
        %get3A_1140 = arith.constant 16 : index
        %get3A_1141 = tpu.vector_load %arg8[%get3A_1138, %get3A_1139, %get3A_1140] {strides = array<i32>} : memref<2x832x32xf32, #tpu.memory_space<vmem>>, vector<16xf32>,
        %add3A_1142 = arith.addf %add3A_1124, %get3A_1135 : vector<16xf32>
        %mul3A_1143 = arith.mulf %get3A_1135, %get3A_1135 : vector<16xf32>
        %add3A_1144 = arith.addf %add3A_1126, %mul3A_1143 : vector<16xf32>
        %add3A_1145 = arith.addf %add3A_1127, %get3A_1141 : vector<16xf32>
        %mul3A_1146 = arith.mulf %get3A_1141, %get3A_1141 : vector<16xf32>
        %add3A_1147 = arith.addf %add3A_1129, %mul3A_1146 : vector<16xf32>
        %mul3A_1148 = arith.mulf %add3A_1142, %add3A_1142 : vector<16xf32>
        %sub3A = arith.subf %mul3A_1148, %add3A_1144 : vector<16xf32>
        %mul3A_1149 = arith.mulf %add3A_1145, %add3A_1145 : vector<16xf32>
        %sub3A_1150 = arith.subf %mul3A_1149, %add3A_1147 : vector<16xf32>
        %add3A_1151 = arith.addf %sub3A, %sub3A_1150 : vector<16xf32>
        %swap3A_1152 = arith.index_cast %add3A_669 : i32 to index
        %swap3A_1153 = arith.constant 0 : index
        %swap3A_1154 = tpu.vector_load %arg11[%swap3A_1152, %swap3A_1153] {strides = array<i32>} : memref<32x17xf32, #tpu.memory_space<vmem>>, vector<16xf32>,
        tpu.vector_store %arg11[%swap3A_1152, %swap3A_1153], %add3A_1151 {strides = array<i32>} : memref<32x17xf32, #tpu.memory_space<vmem>>, vector<16xf32>,
      }
      %scan3A_62 = arith.constant 32 : i32
      %add3A_63 = arith.constant 0 : i32
      %add3A_64 = vector.broadcast %add3A_63 : i32 to vector<16xi32>
      %add3A_65 = arith.addi %add3A_64, %iota3A : vector<16xi32>
      %broadcast_in_dim3A = arith.constant 0.000000e+00 : f32
      %broadcast_in_dim3A_66 = vector.broadcast %broadcast_in_dim3A : f32 to vector<16xf32>
      %broadcast_in_dim3A_67 = arith.constant 0 : i32
      %broadcast_in_dim3A_68 = vector.broadcast %broadcast_in_dim3A_67 : i32 to vector<16xi32>
      %gather3A = tpu.vector_load_idx %arg11[%add3A_65, %broadcast_in_dim3A_68] : memref<32x17xf32, #tpu.memory_space<vmem>>[vector<16xi32>, vector<16xi32>], vector<16xf32>,
      %add3A_69 = arith.addf %broadcast_in_dim3A_66, %gather3A : vector<16xf32>
      %broadcast_in_dim3A_70 = arith.constant 1 : i32
      %broadcast_in_dim3A_71 = vector.broadcast %broadcast_in_dim3A_70 : i32 to vector<16xi32>
      %gather3A_72 = tpu.vector_load_idx %arg11[%add3A_65, %broadcast_in_dim3A_71] : memref<32x17xf32, #tpu.memory_space<vmem>>[vector<16xi32>, vector<16xi32>], vector<16xf32>,
      %add3A_73 = arith.addf %add3A_69, %gather3A_72 : vector<16xf32>
      %broadcast_in_dim3A_74 = arith.constant 2 : i32
      %broadcast_in_dim3A_75 = vector.broadcast %broadcast_in_dim3A_74 : i32 to vector<16xi32>
      %gather3A_76 = tpu.vector_load_idx %arg11[%add3A_65, %broadcast_in_dim3A_75] : memref<32x17xf32, #tpu.memory_space<vmem>>[vector<16xi32>, vector<16xi32>], vector<16xf32>,
      %add3A_77 = arith.addf %add3A_73, %gather3A_76 : vector<16xf32>
      %broadcast_in_dim3A_78 = arith.constant 3 : i32
      %broadcast_in_dim3A_79 = vector.broadcast %broadcast_in_dim3A_78 : i32 to vector<16xi32>
      %gather3A_80 = tpu.vector_load_idx %arg11[%add3A_65, %broadcast_in_dim3A_79] : memref<32x17xf32, #tpu.memory_space<vmem>>[vector<16xi32>, vector<16xi32>], vector<16xf32>,
      %add3A_81 = arith.addf %add3A_77, %gather3A_80 : vector<16xf32>
      %broadcast_in_dim3A_82 = arith.constant 4 : i32
      %broadcast_in_dim3A_83 = vector.broadcast %broadcast_in_dim3A_82 : i32 to vector<16xi32>
      %gather3A_84 = tpu.vector_load_idx %arg11[%add3A_65, %broadcast_in_dim3A_83] : memref<32x17xf32, #tpu.memory_space<vmem>>[vector<16xi32>, vector<16xi32>], vector<16xf32>,
      %add3A_85 = arith.addf %add3A_81, %gather3A_84 : vector<16xf32>
      %broadcast_in_dim3A_86 = arith.constant 5 : i32
      %broadcast_in_dim3A_87 = vector.broadcast %broadcast_in_dim3A_86 : i32 to vector<16xi32>
      %gather3A_88 = tpu.vector_load_idx %arg11[%add3A_65, %broadcast_in_dim3A_87] : memref<32x17xf32, #tpu.memory_space<vmem>>[vector<16xi32>, vector<16xi32>], vector<16xf32>,
      %add3A_89 = arith.addf %add3A_85, %gather3A_88 : vector<16xf32>
      %broadcast_in_dim3A_90 = arith.constant 6 : i32
      %broadcast_in_dim3A_91 = vector.broadcast %broadcast_in_dim3A_90 : i32 to vector<16xi32>
      %gather3A_92 = tpu.vector_load_idx %arg11[%add3A_65, %broadcast_in_dim3A_91] : memref<32x17xf32, #tpu.memory_space<vmem>>[vector<16xi32>, vector<16xi32>], vector<16xf32>,
      %add3A_93 = arith.addf %add3A_89, %gather3A_92 : vector<16xf32>
      %broadcast_in_dim3A_94 = arith.constant 7 : i32
      %broadcast_in_dim3A_95 = vector.broadcast %broadcast_in_dim3A_94 : i32 to vector<16xi32>
      %gather3A_96 = tpu.vector_load_idx %arg11[%add3A_65, %broadcast_in_dim3A_95] : memref<32x17xf32, #tpu.memory_space<vmem>>[vector<16xi32>, vector<16xi32>], vector<16xf32>,
      %add3A_97 = arith.addf %add3A_93, %gather3A_96 : vector<16xf32>
      %broadcast_in_dim3A_98 = arith.constant 8 : i32
      %broadcast_in_dim3A_99 = vector.broadcast %broadcast_in_dim3A_98 : i32 to vector<16xi32>
      %gather3A_100 = tpu.vector_load_idx %arg11[%add3A_65, %broadcast_in_dim3A_99] : memref<32x17xf32, #tpu.memory_space<vmem>>[vector<16xi32>, vector<16xi32>], vector<16xf32>,
      %add3A_101 = arith.addf %add3A_97, %gather3A_100 : vector<16xf32>
      %broadcast_in_dim3A_102 = arith.constant 9 : i32
      %broadcast_in_dim3A_103 = vector.broadcast %broadcast_in_dim3A_102 : i32 to vector<16xi32>
      %gather3A_104 = tpu.vector_load_idx %arg11[%add3A_65, %broadcast_in_dim3A_103] : memref<32x17xf32, #tpu.memory_space<vmem>>[vector<16xi32>, vector<16xi32>], vector<16xf32>,
      %add3A_105 = arith.addf %add3A_101, %gather3A_104 : vector<16xf32>
      %broadcast_in_dim3A_106 = arith.constant 10 : i32
      %broadcast_in_dim3A_107 = vector.broadcast %broadcast_in_dim3A_106 : i32 to vector<16xi32>
      %gather3A_108 = tpu.vector_load_idx %arg11[%add3A_65, %broadcast_in_dim3A_107] : memref<32x17xf32, #tpu.memory_space<vmem>>[vector<16xi32>, vector<16xi32>], vector<16xf32>,
      %add3A_109 = arith.addf %add3A_105, %gather3A_108 : vector<16xf32>
      %broadcast_in_dim3A_110 = arith.constant 11 : i32
      %broadcast_in_dim3A_111 = vector.broadcast %broadcast_in_dim3A_110 : i32 to vector<16xi32>
      %gather3A_112 = tpu.vector_load_idx %arg11[%add3A_65, %broadcast_in_dim3A_111] : memref<32x17xf32, #tpu.memory_space<vmem>>[vector<16xi32>, vector<16xi32>], vector<16xf32>,
      %add3A_113 = arith.addf %add3A_109, %gather3A_112 : vector<16xf32>
      %broadcast_in_dim3A_114 = arith.constant 12 : i32
      %broadcast_in_dim3A_115 = vector.broadcast %broadcast_in_dim3A_114 : i32 to vector<16xi32>
      %gather3A_116 = tpu.vector_load_idx %arg11[%add3A_65, %broadcast_in_dim3A_115] : memref<32x17xf32, #tpu.memory_space<vmem>>[vector<16xi32>, vector<16xi32>], vector<16xf32>,
      %add3A_117 = arith.addf %add3A_113, %gather3A_116 : vector<16xf32>
      %broadcast_in_dim3A_118 = arith.constant 13 : i32
      %broadcast_in_dim3A_119 = vector.broadcast %broadcast_in_dim3A_118 : i32 to vector<16xi32>
      %gather3A_120 = tpu.vector_load_idx %arg11[%add3A_65, %broadcast_in_dim3A_119] : memref<32x17xf32, #tpu.memory_space<vmem>>[vector<16xi32>, vector<16xi32>], vector<16xf32>,
      %add3A_121 = arith.addf %add3A_117, %gather3A_120 : vector<16xf32>
      %broadcast_in_dim3A_122 = arith.constant 14 : i32
      %broadcast_in_dim3A_123 = vector.broadcast %broadcast_in_dim3A_122 : i32 to vector<16xi32>
      %gather3A_124 = tpu.vector_load_idx %arg11[%add3A_65, %broadcast_in_dim3A_123] : memref<32x17xf32, #tpu.memory_space<vmem>>[vector<16xi32>, vector<16xi32>], vector<16xf32>,
      %add3A_125 = arith.addf %add3A_121, %gather3A_124 : vector<16xf32>
      %broadcast_in_dim3A_126 = arith.constant 15 : i32
      %broadcast_in_dim3A_127 = vector.broadcast %broadcast_in_dim3A_126 : i32 to vector<16xi32>
      %gather3A_128 = tpu.vector_load_idx %arg11[%add3A_65, %broadcast_in_dim3A_127] : memref<32x17xf32, #tpu.memory_space<vmem>>[vector<16xi32>, vector<16xi32>], vector<16xf32>,
      %add3A_129 = arith.addf %add3A_125, %gather3A_128 : vector<16xf32>
      %broadcast_in_dim3A_130 = arith.constant 0.000000e+00 : f32
      %broadcast_in_dim3A_131 = vector.broadcast %broadcast_in_dim3A_130 : f32 to vector<16xf32>
      %mul3A_132 = arith.constant 26 : i32
      %mul3A_133 = vector.broadcast %mul3A_132 : i32 to vector<16xi32>
      %mul3A_134 = arith.muli %add3A_65, %mul3A_133 : vector<16xi32>
      %add3A_135 = arith.constant 0 : i32
      %add3A_136 = vector.broadcast %add3A_135 : i32 to vector<16xi32>
      %add3A_137 = arith.addi %mul3A_134, %add3A_136 : vector<16xi32>
      %gather3A_138 = arith.constant 0 : i32
      %gather3A_139 = tpu.memref_slice %arg9[%rem3A_35, %gather3A_138] : memref<2x832xf32, #tpu.memory_space<vmem>> -> memref<1x832xf32, #tpu.memory_space<vmem>>
      %gather3A_140 = tpu.memref_squeeze %gather3A_139 : memref<1x832xf32, #tpu.memory_space<vmem>> -> memref<832xf32, #tpu.memory_space<vmem>>
      %gather3A_141 = tpu.vector_load_idx %gather3A_140[%add3A_137] : memref<832xf32, #tpu.memory_space<vmem>>[vector<16xi32>], vector<16xf32>,
      %add3A_142 = arith.addf %broadcast_in_dim3A_131, %gather3A_141 : vector<16xf32>
      %add3A_143 = arith.constant 1 : i32
      %add3A_144 = vector.broadcast %add3A_143 : i32 to vector<16xi32>
      %add3A_145 = arith.addi %mul3A_134, %add3A_144 : vector<16xi32>
      %gather3A_146 = arith.constant 0 : i32
      %gather3A_147 = tpu.memref_slice %arg9[%rem3A_35, %gather3A_146] : memref<2x832xf32, #tpu.memory_space<vmem>> -> memref<1x832xf32, #tpu.memory_space<vmem>>
      %gather3A_148 = tpu.memref_squeeze %gather3A_147 : memref<1x832xf32, #tpu.memory_space<vmem>> -> memref<832xf32, #tpu.memory_space<vmem>>
      %gather3A_149 = tpu.vector_load_idx %gather3A_148[%add3A_145] : memref<832xf32, #tpu.memory_space<vmem>>[vector<16xi32>], vector<16xf32>,
      %add3A_150 = arith.addf %add3A_142, %gather3A_149 : vector<16xf32>
      %add3A_151 = arith.constant 2 : i32
      %add3A_152 = vector.broadcast %add3A_151 : i32 to vector<16xi32>
      %add3A_153 = arith.addi %mul3A_134, %add3A_152 : vector<16xi32>
      %gather3A_154 = arith.constant 0 : i32
      %gather3A_155 = tpu.memref_slice %arg9[%rem3A_35, %gather3A_154] : memref<2x832xf32, #tpu.memory_space<vmem>> -> memref<1x832xf32, #tpu.memory_space<vmem>>
      %gather3A_156 = tpu.memref_squeeze %gather3A_155 : memref<1x832xf32, #tpu.memory_space<vmem>> -> memref<832xf32, #tpu.memory_space<vmem>>
      %gather3A_157 = tpu.vector_load_idx %gather3A_156[%add3A_153] : memref<832xf32, #tpu.memory_space<vmem>>[vector<16xi32>], vector<16xf32>,
      %add3A_158 = arith.addf %add3A_150, %gather3A_157 : vector<16xf32>
      %add3A_159 = arith.constant 3 : i32
      %add3A_160 = vector.broadcast %add3A_159 : i32 to vector<16xi32>
      %add3A_161 = arith.addi %mul3A_134, %add3A_160 : vector<16xi32>
      %gather3A_162 = arith.constant 0 : i32
      %gather3A_163 = tpu.memref_slice %arg9[%rem3A_35, %gather3A_162] : memref<2x832xf32, #tpu.memory_space<vmem>> -> memref<1x832xf32, #tpu.memory_space<vmem>>
      %gather3A_164 = tpu.memref_squeeze %gather3A_163 : memref<1x832xf32, #tpu.memory_space<vmem>> -> memref<832xf32, #tpu.memory_space<vmem>>
      %gather3A_165 = tpu.vector_load_idx %gather3A_164[%add3A_161] : memref<832xf32, #tpu.memory_space<vmem>>[vector<16xi32>], vector<16xf32>,
      %add3A_166 = arith.addf %add3A_158, %gather3A_165 : vector<16xf32>
      %add3A_167 = arith.constant 4 : i32
      %add3A_168 = vector.broadcast %add3A_167 : i32 to vector<16xi32>
      %add3A_169 = arith.addi %mul3A_134, %add3A_168 : vector<16xi32>
      %gather3A_170 = arith.constant 0 : i32
      %gather3A_171 = tpu.memref_slice %arg9[%rem3A_35, %gather3A_170] : memref<2x832xf32, #tpu.memory_space<vmem>> -> memref<1x832xf32, #tpu.memory_space<vmem>>
      %gather3A_172 = tpu.memref_squeeze %gather3A_171 : memref<1x832xf32, #tpu.memory_space<vmem>> -> memref<832xf32, #tpu.memory_space<vmem>>
      %gather3A_173 = tpu.vector_load_idx %gather3A_172[%add3A_169] : memref<832xf32, #tpu.memory_space<vmem>>[vector<16xi32>], vector<16xf32>,
      %add3A_174 = arith.addf %add3A_166, %gather3A_173 : vector<16xf32>
      %add3A_175 = arith.constant 5 : i32
      %add3A_176 = vector.broadcast %add3A_175 : i32 to vector<16xi32>
      %add3A_177 = arith.addi %mul3A_134, %add3A_176 : vector<16xi32>
      %gather3A_178 = arith.constant 0 : i32
      %gather3A_179 = tpu.memref_slice %arg9[%rem3A_35, %gather3A_178] : memref<2x832xf32, #tpu.memory_space<vmem>> -> memref<1x832xf32, #tpu.memory_space<vmem>>
      %gather3A_180 = tpu.memref_squeeze %gather3A_179 : memref<1x832xf32, #tpu.memory_space<vmem>> -> memref<832xf32, #tpu.memory_space<vmem>>
      %gather3A_181 = tpu.vector_load_idx %gather3A_180[%add3A_177] : memref<832xf32, #tpu.memory_space<vmem>>[vector<16xi32>], vector<16xf32>,
      %add3A_182 = arith.addf %add3A_174, %gather3A_181 : vector<16xf32>
      %add3A_183 = arith.constant 6 : i32
      %add3A_184 = vector.broadcast %add3A_183 : i32 to vector<16xi32>
      %add3A_185 = arith.addi %mul3A_134, %add3A_184 : vector<16xi32>
      %gather3A_186 = arith.constant 0 : i32
      %gather3A_187 = tpu.memref_slice %arg9[%rem3A_35, %gather3A_186] : memref<2x832xf32, #tpu.memory_space<vmem>> -> memref<1x832xf32, #tpu.memory_space<vmem>>
      %gather3A_188 = tpu.memref_squeeze %gather3A_187 : memref<1x832xf32, #tpu.memory_space<vmem>> -> memref<832xf32, #tpu.memory_space<vmem>>
      %gather3A_189 = tpu.vector_load_idx %gather3A_188[%add3A_185] : memref<832xf32, #tpu.memory_space<vmem>>[vector<16xi32>], vector<16xf32>,
      %add3A_190 = arith.addf %add3A_182, %gather3A_189 : vector<16xf32>
      %add3A_191 = arith.constant 7 : i32
      %add3A_192 = vector.broadcast %add3A_191 : i32 to vector<16xi32>
      %add3A_193 = arith.addi %mul3A_134, %add3A_192 : vector<16xi32>
      %gather3A_194 = arith.constant 0 : i32
      %gather3A_195 = tpu.memref_slice %arg9[%rem3A_35, %gather3A_194] : memref<2x832xf32, #tpu.memory_space<vmem>> -> memref<1x832xf32, #tpu.memory_space<vmem>>
      %gather3A_196 = tpu.memref_squeeze %gather3A_195 : memref<1x832xf32, #tpu.memory_space<vmem>> -> memref<832xf32, #tpu.memory_space<vmem>>
      %gather3A_197 = tpu.vector_load_idx %gather3A_196[%add3A_193] : memref<832xf32, #tpu.memory_space<vmem>>[vector<16xi32>], vector<16xf32>,
      %add3A_198 = arith.addf %add3A_190, %gather3A_197 : vector<16xf32>
      %add3A_199 = arith.constant 8 : i32
      %add3A_200 = vector.broadcast %add3A_199 : i32 to vector<16xi32>
      %add3A_201 = arith.addi %mul3A_134, %add3A_200 : vector<16xi32>
      %gather3A_202 = arith.constant 0 : i32
      %gather3A_203 = tpu.memref_slice %arg9[%rem3A_35, %gather3A_202] : memref<2x832xf32, #tpu.memory_space<vmem>> -> memref<1x832xf32, #tpu.memory_space<vmem>>
      %gather3A_204 = tpu.memref_squeeze %gather3A_203 : memref<1x832xf32, #tpu.memory_space<vmem>> -> memref<832xf32, #tpu.memory_space<vmem>>
      %gather3A_205 = tpu.vector_load_idx %gather3A_204[%add3A_201] : memref<832xf32, #tpu.memory_space<vmem>>[vector<16xi32>], vector<16xf32>,
      %add3A_206 = arith.addf %add3A_198, %gather3A_205 : vector<16xf32>
      %add3A_207 = arith.constant 9 : i32
      %add3A_208 = vector.broadcast %add3A_207 : i32 to vector<16xi32>
      %add3A_209 = arith.addi %mul3A_134, %add3A_208 : vector<16xi32>
      %gather3A_210 = arith.constant 0 : i32
      %gather3A_211 = tpu.memref_slice %arg9[%rem3A_35, %gather3A_210] : memref<2x832xf32, #tpu.memory_space<vmem>> -> memref<1x832xf32, #tpu.memory_space<vmem>>
      %gather3A_212 = tpu.memref_squeeze %gather3A_211 : memref<1x832xf32, #tpu.memory_space<vmem>> -> memref<832xf32, #tpu.memory_space<vmem>>
      %gather3A_213 = tpu.vector_load_idx %gather3A_212[%add3A_209] : memref<832xf32, #tpu.memory_space<vmem>>[vector<16xi32>], vector<16xf32>,
      %add3A_214 = arith.addf %add3A_206, %gather3A_213 : vector<16xf32>
      %add3A_215 = arith.constant 10 : i32
      %add3A_216 = vector.broadcast %add3A_215 : i32 to vector<16xi32>
      %add3A_217 = arith.addi %mul3A_134, %add3A_216 : vector<16xi32>
      %gather3A_218 = arith.constant 0 : i32
      %gather3A_219 = tpu.memref_slice %arg9[%rem3A_35, %gather3A_218] : memref<2x832xf32, #tpu.memory_space<vmem>> -> memref<1x832xf32, #tpu.memory_space<vmem>>
      %gather3A_220 = tpu.memref_squeeze %gather3A_219 : memref<1x832xf32, #tpu.memory_space<vmem>> -> memref<832xf32, #tpu.memory_space<vmem>>
      %gather3A_221 = tpu.vector_load_idx %gather3A_220[%add3A_217] : memref<832xf32, #tpu.memory_space<vmem>>[vector<16xi32>], vector<16xf32>,
      %add3A_222 = arith.addf %add3A_214, %gather3A_221 : vector<16xf32>
      %add3A_223 = arith.constant 11 : i32
      %add3A_224 = vector.broadcast %add3A_223 : i32 to vector<16xi32>
      %add3A_225 = arith.addi %mul3A_134, %add3A_224 : vector<16xi32>
      %gather3A_226 = arith.constant 0 : i32
      %gather3A_227 = tpu.memref_slice %arg9[%rem3A_35, %gather3A_226] : memref<2x832xf32, #tpu.memory_space<vmem>> -> memref<1x832xf32, #tpu.memory_space<vmem>>
      %gather3A_228 = tpu.memref_squeeze %gather3A_227 : memref<1x832xf32, #tpu.memory_space<vmem>> -> memref<832xf32, #tpu.memory_space<vmem>>
      %gather3A_229 = tpu.vector_load_idx %gather3A_228[%add3A_225] : memref<832xf32, #tpu.memory_space<vmem>>[vector<16xi32>], vector<16xf32>,
      %add3A_230 = arith.addf %add3A_222, %gather3A_229 : vector<16xf32>
      %add3A_231 = arith.constant 12 : i32
      %add3A_232 = vector.broadcast %add3A_231 : i32 to vector<16xi32>
      %add3A_233 = arith.addi %mul3A_134, %add3A_232 : vector<16xi32>
      %gather3A_234 = arith.constant 0 : i32
      %gather3A_235 = tpu.memref_slice %arg9[%rem3A_35, %gather3A_234] : memref<2x832xf32, #tpu.memory_space<vmem>> -> memref<1x832xf32, #tpu.memory_space<vmem>>
      %gather3A_236 = tpu.memref_squeeze %gather3A_235 : memref<1x832xf32, #tpu.memory_space<vmem>> -> memref<832xf32, #tpu.memory_space<vmem>>
      %gather3A_237 = tpu.vector_load_idx %gather3A_236[%add3A_233] : memref<832xf32, #tpu.memory_space<vmem>>[vector<16xi32>], vector<16xf32>,
      %add3A_238 = arith.addf %add3A_230, %gather3A_237 : vector<16xf32>
      %add3A_239 = arith.constant 13 : i32
      %add3A_240 = vector.broadcast %add3A_239 : i32 to vector<16xi32>
      %add3A_241 = arith.addi %mul3A_134, %add3A_240 : vector<16xi32>
      %gather3A_242 = arith.constant 0 : i32
      %gather3A_243 = tpu.memref_slice %arg9[%rem3A_35, %gather3A_242] : memref<2x832xf32, #tpu.memory_space<vmem>> -> memref<1x832xf32, #tpu.memory_space<vmem>>
      %gather3A_244 = tpu.memref_squeeze %gather3A_243 : memref<1x832xf32, #tpu.memory_space<vmem>> -> memref<832xf32, #tpu.memory_space<vmem>>
      %gather3A_245 = tpu.vector_load_idx %gather3A_244[%add3A_241] : memref<832xf32, #tpu.memory_space<vmem>>[vector<16xi32>], vector<16xf32>,
      %add3A_246 = arith.addf %add3A_238, %gather3A_245 : vector<16xf32>
      %add3A_247 = arith.constant 14 : i32
      %add3A_248 = vector.broadcast %add3A_247 : i32 to vector<16xi32>
      %add3A_249 = arith.addi %mul3A_134, %add3A_248 : vector<16xi32>
      %gather3A_250 = arith.constant 0 : i32
      %gather3A_251 = tpu.memref_slice %arg9[%rem3A_35, %gather3A_250] : memref<2x832xf32, #tpu.memory_space<vmem>> -> memref<1x832xf32, #tpu.memory_space<vmem>>
      %gather3A_252 = tpu.memref_squeeze %gather3A_251 : memref<1x832xf32, #tpu.memory_space<vmem>> -> memref<832xf32, #tpu.memory_space<vmem>>
      %gather3A_253 = tpu.vector_load_idx %gather3A_252[%add3A_249] : memref<832xf32, #tpu.memory_space<vmem>>[vector<16xi32>], vector<16xf32>,
      %add3A_254 = arith.addf %add3A_246, %gather3A_253 : vector<16xf32>
      %add3A_255 = arith.constant 15 : i32
      %add3A_256 = vector.broadcast %add3A_255 : i32 to vector<16xi32>
      %add3A_257 = arith.addi %mul3A_134, %add3A_256 : vector<16xi32>
      %gather3A_258 = arith.constant 0 : i32
      %gather3A_259 = tpu.memref_slice %arg9[%rem3A_35, %gather3A_258] : memref<2x832xf32, #tpu.memory_space<vmem>> -> memref<1x832xf32, #tpu.memory_space<vmem>>
      %gather3A_260 = tpu.memref_squeeze %gather3A_259 : memref<1x832xf32, #tpu.memory_space<vmem>> -> memref<832xf32, #tpu.memory_space<vmem>>
      %gather3A_261 = tpu.vector_load_idx %gather3A_260[%add3A_257] : memref<832xf32, #tpu.memory_space<vmem>>[vector<16xi32>], vector<16xf32>,
      %add3A_262 = arith.addf %add3A_254, %gather3A_261 : vector<16xf32>
      %add3A_263 = arith.constant 16 : i32
      %add3A_264 = vector.broadcast %add3A_263 : i32 to vector<16xi32>
      %add3A_265 = arith.addi %mul3A_134, %add3A_264 : vector<16xi32>
      %gather3A_266 = arith.constant 0 : i32
      %gather3A_267 = tpu.memref_slice %arg9[%rem3A_35, %gather3A_266] : memref<2x832xf32, #tpu.memory_space<vmem>> -> memref<1x832xf32, #tpu.memory_space<vmem>>
      %gather3A_268 = tpu.memref_squeeze %gather3A_267 : memref<1x832xf32, #tpu.memory_space<vmem>> -> memref<832xf32, #tpu.memory_space<vmem>>
      %gather3A_269 = tpu.vector_load_idx %gather3A_268[%add3A_265] : memref<832xf32, #tpu.memory_space<vmem>>[vector<16xi32>], vector<16xf32>,
      %add3A_270 = arith.addf %add3A_262, %gather3A_269 : vector<16xf32>
      %add3A_271 = arith.constant 17 : i32
      %add3A_272 = vector.broadcast %add3A_271 : i32 to vector<16xi32>
      %add3A_273 = arith.addi %mul3A_134, %add3A_272 : vector<16xi32>
      %gather3A_274 = arith.constant 0 : i32
      %gather3A_275 = tpu.memref_slice %arg9[%rem3A_35, %gather3A_274] : memref<2x832xf32, #tpu.memory_space<vmem>> -> memref<1x832xf32, #tpu.memory_space<vmem>>
      %gather3A_276 = tpu.memref_squeeze %gather3A_275 : memref<1x832xf32, #tpu.memory_space<vmem>> -> memref<832xf32, #tpu.memory_space<vmem>>
      %gather3A_277 = tpu.vector_load_idx %gather3A_276[%add3A_273] : memref<832xf32, #tpu.memory_space<vmem>>[vector<16xi32>], vector<16xf32>,
      %add3A_278 = arith.addf %add3A_270, %gather3A_277 : vector<16xf32>
      %add3A_279 = arith.constant 18 : i32
      %add3A_280 = vector.broadcast %add3A_279 : i32 to vector<16xi32>
      %add3A_281 = arith.addi %mul3A_134, %add3A_280 : vector<16xi32>
      %gather3A_282 = arith.constant 0 : i32
      %gather3A_283 = tpu.memref_slice %arg9[%rem3A_35, %gather3A_282] : memref<2x832xf32, #tpu.memory_space<vmem>> -> memref<1x832xf32, #tpu.memory_space<vmem>>
      %gather3A_284 = tpu.memref_squeeze %gather3A_283 : memref<1x832xf32, #tpu.memory_space<vmem>> -> memref<832xf32, #tpu.memory_space<vmem>>
      %gather3A_285 = tpu.vector_load_idx %gather3A_284[%add3A_281] : memref<832xf32, #tpu.memory_space<vmem>>[vector<16xi32>], vector<16xf32>,
      %add3A_286 = arith.addf %add3A_278, %gather3A_285 : vector<16xf32>
      %add3A_287 = arith.constant 19 : i32
      %add3A_288 = vector.broadcast %add3A_287 : i32 to vector<16xi32>
      %add3A_289 = arith.addi %mul3A_134, %add3A_288 : vector<16xi32>
      %gather3A_290 = arith.constant 0 : i32
      %gather3A_291 = tpu.memref_slice %arg9[%rem3A_35, %gather3A_290] : memref<2x832xf32, #tpu.memory_space<vmem>> -> memref<1x832xf32, #tpu.memory_space<vmem>>
      %gather3A_292 = tpu.memref_squeeze %gather3A_291 : memref<1x832xf32, #tpu.memory_space<vmem>> -> memref<832xf32, #tpu.memory_space<vmem>>
      %gather3A_293 = tpu.vector_load_idx %gather3A_292[%add3A_289] : memref<832xf32, #tpu.memory_space<vmem>>[vector<16xi32>], vector<16xf32>,
      %add3A_294 = arith.addf %add3A_286, %gather3A_293 : vector<16xf32>
      %add3A_295 = arith.constant 20 : i32
      %add3A_296 = vector.broadcast %add3A_295 : i32 to vector<16xi32>
      %add3A_297 = arith.addi %mul3A_134, %add3A_296 : vector<16xi32>
      %gather3A_298 = arith.constant 0 : i32
      %gather3A_299 = tpu.memref_slice %arg9[%rem3A_35, %gather3A_298] : memref<2x832xf32, #tpu.memory_space<vmem>> -> memref<1x832xf32, #tpu.memory_space<vmem>>
      %gather3A_300 = tpu.memref_squeeze %gather3A_299 : memref<1x832xf32, #tpu.memory_space<vmem>> -> memref<832xf32, #tpu.memory_space<vmem>>
      %gather3A_301 = tpu.vector_load_idx %gather3A_300[%add3A_297] : memref<832xf32, #tpu.memory_space<vmem>>[vector<16xi32>], vector<16xf32>,
      %add3A_302 = arith.addf %add3A_294, %gather3A_301 : vector<16xf32>
      %add3A_303 = arith.constant 21 : i32
      %add3A_304 = vector.broadcast %add3A_303 : i32 to vector<16xi32>
      %add3A_305 = arith.addi %mul3A_134, %add3A_304 : vector<16xi32>
      %gather3A_306 = arith.constant 0 : i32
      %gather3A_307 = tpu.memref_slice %arg9[%rem3A_35, %gather3A_306] : memref<2x832xf32, #tpu.memory_space<vmem>> -> memref<1x832xf32, #tpu.memory_space<vmem>>
      %gather3A_308 = tpu.memref_squeeze %gather3A_307 : memref<1x832xf32, #tpu.memory_space<vmem>> -> memref<832xf32, #tpu.memory_space<vmem>>
      %gather3A_309 = tpu.vector_load_idx %gather3A_308[%add3A_305] : memref<832xf32, #tpu.memory_space<vmem>>[vector<16xi32>], vector<16xf32>,
      %add3A_310 = arith.addf %add3A_302, %gather3A_309 : vector<16xf32>
      %add3A_311 = arith.constant 22 : i32
      %add3A_312 = vector.broadcast %add3A_311 : i32 to vector<16xi32>
      %add3A_313 = arith.addi %mul3A_134, %add3A_312 : vector<16xi32>
      %gather3A_314 = arith.constant 0 : i32
      %gather3A_315 = tpu.memref_slice %arg9[%rem3A_35, %gather3A_314] : memref<2x832xf32, #tpu.memory_space<vmem>> -> memref<1x832xf32, #tpu.memory_space<vmem>>
      %gather3A_316 = tpu.memref_squeeze %gather3A_315 : memref<1x832xf32, #tpu.memory_space<vmem>> -> memref<832xf32, #tpu.memory_space<vmem>>
      %gather3A_317 = tpu.vector_load_idx %gather3A_316[%add3A_313] : memref<832xf32, #tpu.memory_space<vmem>>[vector<16xi32>], vector<16xf32>,
      %add3A_318 = arith.addf %add3A_310, %gather3A_317 : vector<16xf32>
      %add3A_319 = arith.constant 23 : i32
      %add3A_320 = vector.broadcast %add3A_319 : i32 to vector<16xi32>
      %add3A_321 = arith.addi %mul3A_134, %add3A_320 : vector<16xi32>
      %gather3A_322 = arith.constant 0 : i32
      %gather3A_323 = tpu.memref_slice %arg9[%rem3A_35, %gather3A_322] : memref<2x832xf32, #tpu.memory_space<vmem>> -> memref<1x832xf32, #tpu.memory_space<vmem>>
      %gather3A_324 = tpu.memref_squeeze %gather3A_323 : memref<1x832xf32, #tpu.memory_space<vmem>> -> memref<832xf32, #tpu.memory_space<vmem>>
      %gather3A_325 = tpu.vector_load_idx %gather3A_324[%add3A_321] : memref<832xf32, #tpu.memory_space<vmem>>[vector<16xi32>], vector<16xf32>,
      %add3A_326 = arith.addf %add3A_318, %gather3A_325 : vector<16xf32>
      %add3A_327 = arith.constant 24 : i32
      %add3A_328 = vector.broadcast %add3A_327 : i32 to vector<16xi32>
      %add3A_329 = arith.addi %mul3A_134, %add3A_328 : vector<16xi32>
      %gather3A_330 = arith.constant 0 : i32
      %gather3A_331 = tpu.memref_slice %arg9[%rem3A_35, %gather3A_330] : memref<2x832xf32, #tpu.memory_space<vmem>> -> memref<1x832xf32, #tpu.memory_space<vmem>>
      %gather3A_332 = tpu.memref_squeeze %gather3A_331 : memref<1x832xf32, #tpu.memory_space<vmem>> -> memref<832xf32, #tpu.memory_space<vmem>>
      %gather3A_333 = tpu.vector_load_idx %gather3A_332[%add3A_329] : memref<832xf32, #tpu.memory_space<vmem>>[vector<16xi32>], vector<16xf32>,
      %add3A_334 = arith.addf %add3A_326, %gather3A_333 : vector<16xf32>
      %add3A_335 = arith.constant 25 : i32
      %add3A_336 = vector.broadcast %add3A_335 : i32 to vector<16xi32>
      %add3A_337 = arith.addi %mul3A_134, %add3A_336 : vector<16xi32>
      %gather3A_338 = arith.constant 0 : i32
      %gather3A_339 = tpu.memref_slice %arg9[%rem3A_35, %gather3A_338] : memref<2x832xf32, #tpu.memory_space<vmem>> -> memref<1x832xf32, #tpu.memory_space<vmem>>
      %gather3A_340 = tpu.memref_squeeze %gather3A_339 : memref<1x832xf32, #tpu.memory_space<vmem>> -> memref<832xf32, #tpu.memory_space<vmem>>
      %gather3A_341 = tpu.vector_load_idx %gather3A_340[%add3A_337] : memref<832xf32, #tpu.memory_space<vmem>>[vector<16xi32>], vector<16xf32>,
      %add3A_342 = arith.addf %add3A_334, %gather3A_341 : vector<16xf32>
      %mul3A_343 = arith.constant 5.000000e-01 : f32
      %mul3A_344 = vector.broadcast %mul3A_343 : f32 to vector<16xf32>
      %mul3A_345 = arith.mulf %mul3A_344, %add3A_129 : vector<16xf32>
      %add3A_346 = arith.addf %mul3A_345, %add3A_342 : vector<16xf32>
      %add3A_347 = arith.addf %add3A_346, %get3A_22 : vector<16xf32>
      %neg3A = arith.constant 0.000000e+00 : f32
      %neg3A_348 = vector.broadcast %neg3A : f32 to vector<16xf32>
      %neg3A_349 = arith.subf %neg3A_348, %add3A_347 : vector<16xf32>
      %exp3A = math.exp %neg3A_349 : vector<16xf32>
      %add3A_350 = arith.constant 1.000000e+00 : f32
      %add3A_351 = vector.broadcast %add3A_350 : f32 to vector<16xf32>
      %add3A_352 = arith.addf %add3A_351, %exp3A : vector<16xf32>
      %div3A = arith.constant 5.500000e+00 : f32
      %div3A_353 = vector.broadcast %div3A : f32 to vector<16xf32>
      %div3A_354 = arith.divf %div3A_353, %add3A_352 : vector<16xf32>
      %mul3A_355 = arith.constant 32 : i32
      %mul3A_356 = arith.muli %add3A_34, %mul3A_355 : i32
      %add3A_357 = arith.constant 0 : i32
      %add3A_358 = arith.addi %mul3A_356, %add3A_357 : i32
      %multiple_of3A_359 = tpu.assume_multiple %add3A_358, 16 : i32
      %swap3A = arith.index_cast %multiple_of3A_359 : i32 to index
      %swap3A_360 = tpu.vector_load %arg10[%swap3A] {strides = array<i32>} : memref<512xf32, #tpu.memory_space<vmem>>, vector<16xf32>,
      tpu.vector_store %arg10[%swap3A], %div3A_354 {strides = array<i32>} : memref<512xf32, #tpu.memory_space<vmem>>, vector<16xf32>,
      %add3A_361 = arith.constant 16 : i32
      %add3A_362 = vector.broadcast %add3A_361 : i32 to vector<16xi32>
      %add3A_363 = arith.addi %add3A_362, %iota3A : vector<16xi32>
      %broadcast_in_dim3A_364 = arith.constant 0.000000e+00 : f32
      %broadcast_in_dim3A_365 = vector.broadcast %broadcast_in_dim3A_364 : f32 to vector<16xf32>
      %broadcast_in_dim3A_366 = arith.constant 0 : i32
      %broadcast_in_dim3A_367 = vector.broadcast %broadcast_in_dim3A_366 : i32 to vector<16xi32>
      %gather3A_368 = tpu.vector_load_idx %arg11[%add3A_363, %broadcast_in_dim3A_367] : memref<32x17xf32, #tpu.memory_space<vmem>>[vector<16xi32>, vector<16xi32>], vector<16xf32>,
      %add3A_369 = arith.addf %broadcast_in_dim3A_365, %gather3A_368 : vector<16xf32>
      %broadcast_in_dim3A_370 = arith.constant 1 : i32
      %broadcast_in_dim3A_371 = vector.broadcast %broadcast_in_dim3A_370 : i32 to vector<16xi32>
      %gather3A_372 = tpu.vector_load_idx %arg11[%add3A_363, %broadcast_in_dim3A_371] : memref<32x17xf32, #tpu.memory_space<vmem>>[vector<16xi32>, vector<16xi32>], vector<16xf32>,
      %add3A_373 = arith.addf %add3A_369, %gather3A_372 : vector<16xf32>
      %broadcast_in_dim3A_374 = arith.constant 2 : i32
      %broadcast_in_dim3A_375 = vector.broadcast %broadcast_in_dim3A_374 : i32 to vector<16xi32>
      %gather3A_376 = tpu.vector_load_idx %arg11[%add3A_363, %broadcast_in_dim3A_375] : memref<32x17xf32, #tpu.memory_space<vmem>>[vector<16xi32>, vector<16xi32>], vector<16xf32>,
      %add3A_377 = arith.addf %add3A_373, %gather3A_376 : vector<16xf32>
      %broadcast_in_dim3A_378 = arith.constant 3 : i32
      %broadcast_in_dim3A_379 = vector.broadcast %broadcast_in_dim3A_378 : i32 to vector<16xi32>
      %gather3A_380 = tpu.vector_load_idx %arg11[%add3A_363, %broadcast_in_dim3A_379] : memref<32x17xf32, #tpu.memory_space<vmem>>[vector<16xi32>, vector<16xi32>], vector<16xf32>,
      %add3A_381 = arith.addf %add3A_377, %gather3A_380 : vector<16xf32>
      %broadcast_in_dim3A_382 = arith.constant 4 : i32
      %broadcast_in_dim3A_383 = vector.broadcast %broadcast_in_dim3A_382 : i32 to vector<16xi32>
      %gather3A_384 = tpu.vector_load_idx %arg11[%add3A_363, %broadcast_in_dim3A_383] : memref<32x17xf32, #tpu.memory_space<vmem>>[vector<16xi32>, vector<16xi32>], vector<16xf32>,
      %add3A_385 = arith.addf %add3A_381, %gather3A_384 : vector<16xf32>
      %broadcast_in_dim3A_386 = arith.constant 5 : i32
      %broadcast_in_dim3A_387 = vector.broadcast %broadcast_in_dim3A_386 : i32 to vector<16xi32>
      %gather3A_388 = tpu.vector_load_idx %arg11[%add3A_363, %broadcast_in_dim3A_387] : memref<32x17xf32, #tpu.memory_space<vmem>>[vector<16xi32>, vector<16xi32>], vector<16xf32>,
      %add3A_389 = arith.addf %add3A_385, %gather3A_388 : vector<16xf32>
      %broadcast_in_dim3A_390 = arith.constant 6 : i32
      %broadcast_in_dim3A_391 = vector.broadcast %broadcast_in_dim3A_390 : i32 to vector<16xi32>
      %gather3A_392 = tpu.vector_load_idx %arg11[%add3A_363, %broadcast_in_dim3A_391] : memref<32x17xf32, #tpu.memory_space<vmem>>[vector<16xi32>, vector<16xi32>], vector<16xf32>,
      %add3A_393 = arith.addf %add3A_389, %gather3A_392 : vector<16xf32>
      %broadcast_in_dim3A_394 = arith.constant 7 : i32
      %broadcast_in_dim3A_395 = vector.broadcast %broadcast_in_dim3A_394 : i32 to vector<16xi32>
      %gather3A_396 = tpu.vector_load_idx %arg11[%add3A_363, %broadcast_in_dim3A_395] : memref<32x17xf32, #tpu.memory_space<vmem>>[vector<16xi32>, vector<16xi32>], vector<16xf32>,
      %add3A_397 = arith.addf %add3A_393, %gather3A_396 : vector<16xf32>
      %broadcast_in_dim3A_398 = arith.constant 8 : i32
      %broadcast_in_dim3A_399 = vector.broadcast %broadcast_in_dim3A_398 : i32 to vector<16xi32>
      %gather3A_400 = tpu.vector_load_idx %arg11[%add3A_363, %broadcast_in_dim3A_399] : memref<32x17xf32, #tpu.memory_space<vmem>>[vector<16xi32>, vector<16xi32>], vector<16xf32>,
      %add3A_401 = arith.addf %add3A_397, %gather3A_400 : vector<16xf32>
      %broadcast_in_dim3A_402 = arith.constant 9 : i32
      %broadcast_in_dim3A_403 = vector.broadcast %broadcast_in_dim3A_402 : i32 to vector<16xi32>
      %gather3A_404 = tpu.vector_load_idx %arg11[%add3A_363, %broadcast_in_dim3A_403] : memref<32x17xf32, #tpu.memory_space<vmem>>[vector<16xi32>, vector<16xi32>], vector<16xf32>,
      %add3A_405 = arith.addf %add3A_401, %gather3A_404 : vector<16xf32>
      %broadcast_in_dim3A_406 = arith.constant 10 : i32
      %broadcast_in_dim3A_407 = vector.broadcast %broadcast_in_dim3A_406 : i32 to vector<16xi32>
      %gather3A_408 = tpu.vector_load_idx %arg11[%add3A_363, %broadcast_in_dim3A_407] : memref<32x17xf32, #tpu.memory_space<vmem>>[vector<16xi32>, vector<16xi32>], vector<16xf32>,
      %add3A_409 = arith.addf %add3A_405, %gather3A_408 : vector<16xf32>
      %broadcast_in_dim3A_410 = arith.constant 11 : i32
      %broadcast_in_dim3A_411 = vector.broadcast %broadcast_in_dim3A_410 : i32 to vector<16xi32>
      %gather3A_412 = tpu.vector_load_idx %arg11[%add3A_363, %broadcast_in_dim3A_411] : memref<32x17xf32, #tpu.memory_space<vmem>>[vector<16xi32>, vector<16xi32>], vector<16xf32>,
      %add3A_413 = arith.addf %add3A_409, %gather3A_412 : vector<16xf32>
      %broadcast_in_dim3A_414 = arith.constant 12 : i32
      %broadcast_in_dim3A_415 = vector.broadcast %broadcast_in_dim3A_414 : i32 to vector<16xi32>
      %gather3A_416 = tpu.vector_load_idx %arg11[%add3A_363, %broadcast_in_dim3A_415] : memref<32x17xf32, #tpu.memory_space<vmem>>[vector<16xi32>, vector<16xi32>], vector<16xf32>,
      %add3A_417 = arith.addf %add3A_413, %gather3A_416 : vector<16xf32>
      %broadcast_in_dim3A_418 = arith.constant 13 : i32
      %broadcast_in_dim3A_419 = vector.broadcast %broadcast_in_dim3A_418 : i32 to vector<16xi32>
      %gather3A_420 = tpu.vector_load_idx %arg11[%add3A_363, %broadcast_in_dim3A_419] : memref<32x17xf32, #tpu.memory_space<vmem>>[vector<16xi32>, vector<16xi32>], vector<16xf32>,
      %add3A_421 = arith.addf %add3A_417, %gather3A_420 : vector<16xf32>
      %broadcast_in_dim3A_422 = arith.constant 14 : i32
      %broadcast_in_dim3A_423 = vector.broadcast %broadcast_in_dim3A_422 : i32 to vector<16xi32>
      %gather3A_424 = tpu.vector_load_idx %arg11[%add3A_363, %broadcast_in_dim3A_423] : memref<32x17xf32, #tpu.memory_space<vmem>>[vector<16xi32>, vector<16xi32>], vector<16xf32>,
      %add3A_425 = arith.addf %add3A_421, %gather3A_424 : vector<16xf32>
      %broadcast_in_dim3A_426 = arith.constant 15 : i32
      %broadcast_in_dim3A_427 = vector.broadcast %broadcast_in_dim3A_426 : i32 to vector<16xi32>
      %gather3A_428 = tpu.vector_load_idx %arg11[%add3A_363, %broadcast_in_dim3A_427] : memref<32x17xf32, #tpu.memory_space<vmem>>[vector<16xi32>, vector<16xi32>], vector<16xf32>,
      %add3A_429 = arith.addf %add3A_425, %gather3A_428 : vector<16xf32>
      %broadcast_in_dim3A_430 = arith.constant 0.000000e+00 : f32
      %broadcast_in_dim3A_431 = vector.broadcast %broadcast_in_dim3A_430 : f32 to vector<16xf32>
      %mul3A_432 = arith.constant 26 : i32
      %mul3A_433 = vector.broadcast %mul3A_432 : i32 to vector<16xi32>
      %mul3A_434 = arith.muli %add3A_363, %mul3A_433 : vector<16xi32>
      %add3A_435 = arith.constant 0 : i32
      %add3A_436 = vector.broadcast %add3A_435 : i32 to vector<16xi32>
      %add3A_437 = arith.addi %mul3A_434, %add3A_436 : vector<16xi32>
      %gather3A_438 = arith.constant 0 : i32
      %gather3A_439 = tpu.memref_slice %arg9[%rem3A_35, %gather3A_438] : memref<2x832xf32, #tpu.memory_space<vmem>> -> memref<1x832xf32, #tpu.memory_space<vmem>>
      %gather3A_440 = tpu.memref_squeeze %gather3A_439 : memref<1x832xf32, #tpu.memory_space<vmem>> -> memref<832xf32, #tpu.memory_space<vmem>>
      %gather3A_441 = tpu.vector_load_idx %gather3A_440[%add3A_437] : memref<832xf32, #tpu.memory_space<vmem>>[vector<16xi32>], vector<16xf32>,
      %add3A_442 = arith.addf %broadcast_in_dim3A_431, %gather3A_441 : vector<16xf32>
      %add3A_443 = arith.constant 1 : i32
      %add3A_444 = vector.broadcast %add3A_443 : i32 to vector<16xi32>
      %add3A_445 = arith.addi %mul3A_434, %add3A_444 : vector<16xi32>
      %gather3A_446 = arith.constant 0 : i32
      %gather3A_447 = tpu.memref_slice %arg9[%rem3A_35, %gather3A_446] : memref<2x832xf32, #tpu.memory_space<vmem>> -> memref<1x832xf32, #tpu.memory_space<vmem>>
      %gather3A_448 = tpu.memref_squeeze %gather3A_447 : memref<1x832xf32, #tpu.memory_space<vmem>> -> memref<832xf32, #tpu.memory_space<vmem>>
      %gather3A_449 = tpu.vector_load_idx %gather3A_448[%add3A_445] : memref<832xf32, #tpu.memory_space<vmem>>[vector<16xi32>], vector<16xf32>,
      %add3A_450 = arith.addf %add3A_442, %gather3A_449 : vector<16xf32>
      %add3A_451 = arith.constant 2 : i32
      %add3A_452 = vector.broadcast %add3A_451 : i32 to vector<16xi32>
      %add3A_453 = arith.addi %mul3A_434, %add3A_452 : vector<16xi32>
      %gather3A_454 = arith.constant 0 : i32
      %gather3A_455 = tpu.memref_slice %arg9[%rem3A_35, %gather3A_454] : memref<2x832xf32, #tpu.memory_space<vmem>> -> memref<1x832xf32, #tpu.memory_space<vmem>>
      %gather3A_456 = tpu.memref_squeeze %gather3A_455 : memref<1x832xf32, #tpu.memory_space<vmem>> -> memref<832xf32, #tpu.memory_space<vmem>>
      %gather3A_457 = tpu.vector_load_idx %gather3A_456[%add3A_453] : memref<832xf32, #tpu.memory_space<vmem>>[vector<16xi32>], vector<16xf32>,
      %add3A_458 = arith.addf %add3A_450, %gather3A_457 : vector<16xf32>
      %add3A_459 = arith.constant 3 : i32
      %add3A_460 = vector.broadcast %add3A_459 : i32 to vector<16xi32>
      %add3A_461 = arith.addi %mul3A_434, %add3A_460 : vector<16xi32>
      %gather3A_462 = arith.constant 0 : i32
      %gather3A_463 = tpu.memref_slice %arg9[%rem3A_35, %gather3A_462] : memref<2x832xf32, #tpu.memory_space<vmem>> -> memref<1x832xf32, #tpu.memory_space<vmem>>
      %gather3A_464 = tpu.memref_squeeze %gather3A_463 : memref<1x832xf32, #tpu.memory_space<vmem>> -> memref<832xf32, #tpu.memory_space<vmem>>
      %gather3A_465 = tpu.vector_load_idx %gather3A_464[%add3A_461] : memref<832xf32, #tpu.memory_space<vmem>>[vector<16xi32>], vector<16xf32>,
      %add3A_466 = arith.addf %add3A_458, %gather3A_465 : vector<16xf32>
      %add3A_467 = arith.constant 4 : i32
      %add3A_468 = vector.broadcast %add3A_467 : i32 to vector<16xi32>
      %add3A_469 = arith.addi %mul3A_434, %add3A_468 : vector<16xi32>
      %gather3A_470 = arith.constant 0 : i32
      %gather3A_471 = tpu.memref_slice %arg9[%rem3A_35, %gather3A_470] : memref<2x832xf32, #tpu.memory_space<vmem>> -> memref<1x832xf32, #tpu.memory_space<vmem>>
      %gather3A_472 = tpu.memref_squeeze %gather3A_471 : memref<1x832xf32, #tpu.memory_space<vmem>> -> memref<832xf32, #tpu.memory_space<vmem>>
      %gather3A_473 = tpu.vector_load_idx %gather3A_472[%add3A_469] : memref<832xf32, #tpu.memory_space<vmem>>[vector<16xi32>], vector<16xf32>,
      %add3A_474 = arith.addf %add3A_466, %gather3A_473 : vector<16xf32>
      %add3A_475 = arith.constant 5 : i32
      %add3A_476 = vector.broadcast %add3A_475 : i32 to vector<16xi32>
      %add3A_477 = arith.addi %mul3A_434, %add3A_476 : vector<16xi32>
      %gather3A_478 = arith.constant 0 : i32
      %gather3A_479 = tpu.memref_slice %arg9[%rem3A_35, %gather3A_478] : memref<2x832xf32, #tpu.memory_space<vmem>> -> memref<1x832xf32, #tpu.memory_space<vmem>>
      %gather3A_480 = tpu.memref_squeeze %gather3A_479 : memref<1x832xf32, #tpu.memory_space<vmem>> -> memref<832xf32, #tpu.memory_space<vmem>>
      %gather3A_481 = tpu.vector_load_idx %gather3A_480[%add3A_477] : memref<832xf32, #tpu.memory_space<vmem>>[vector<16xi32>], vector<16xf32>,
      %add3A_482 = arith.addf %add3A_474, %gather3A_481 : vector<16xf32>
      %add3A_483 = arith.constant 6 : i32
      %add3A_484 = vector.broadcast %add3A_483 : i32 to vector<16xi32>
      %add3A_485 = arith.addi %mul3A_434, %add3A_484 : vector<16xi32>
      %gather3A_486 = arith.constant 0 : i32
      %gather3A_487 = tpu.memref_slice %arg9[%rem3A_35, %gather3A_486] : memref<2x832xf32, #tpu.memory_space<vmem>> -> memref<1x832xf32, #tpu.memory_space<vmem>>
      %gather3A_488 = tpu.memref_squeeze %gather3A_487 : memref<1x832xf32, #tpu.memory_space<vmem>> -> memref<832xf32, #tpu.memory_space<vmem>>
      %gather3A_489 = tpu.vector_load_idx %gather3A_488[%add3A_485] : memref<832xf32, #tpu.memory_space<vmem>>[vector<16xi32>], vector<16xf32>,
      %add3A_490 = arith.addf %add3A_482, %gather3A_489 : vector<16xf32>
      %add3A_491 = arith.constant 7 : i32
      %add3A_492 = vector.broadcast %add3A_491 : i32 to vector<16xi32>
      %add3A_493 = arith.addi %mul3A_434, %add3A_492 : vector<16xi32>
      %gather3A_494 = arith.constant 0 : i32
      %gather3A_495 = tpu.memref_slice %arg9[%rem3A_35, %gather3A_494] : memref<2x832xf32, #tpu.memory_space<vmem>> -> memref<1x832xf32, #tpu.memory_space<vmem>>
      %gather3A_496 = tpu.memref_squeeze %gather3A_495 : memref<1x832xf32, #tpu.memory_space<vmem>> -> memref<832xf32, #tpu.memory_space<vmem>>
      %gather3A_497 = tpu.vector_load_idx %gather3A_496[%add3A_493] : memref<832xf32, #tpu.memory_space<vmem>>[vector<16xi32>], vector<16xf32>,
      %add3A_498 = arith.addf %add3A_490, %gather3A_497 : vector<16xf32>
      %add3A_499 = arith.constant 8 : i32
      %add3A_500 = vector.broadcast %add3A_499 : i32 to vector<16xi32>
      %add3A_501 = arith.addi %mul3A_434, %add3A_500 : vector<16xi32>
      %gather3A_502 = arith.constant 0 : i32
      %gather3A_503 = tpu.memref_slice %arg9[%rem3A_35, %gather3A_502] : memref<2x832xf32, #tpu.memory_space<vmem>> -> memref<1x832xf32, #tpu.memory_space<vmem>>
      %gather3A_504 = tpu.memref_squeeze %gather3A_503 : memref<1x832xf32, #tpu.memory_space<vmem>> -> memref<832xf32, #tpu.memory_space<vmem>>
      %gather3A_505 = tpu.vector_load_idx %gather3A_504[%add3A_501] : memref<832xf32, #tpu.memory_space<vmem>>[vector<16xi32>], vector<16xf32>,
      %add3A_506 = arith.addf %add3A_498, %gather3A_505 : vector<16xf32>
      %add3A_507 = arith.constant 9 : i32
      %add3A_508 = vector.broadcast %add3A_507 : i32 to vector<16xi32>
      %add3A_509 = arith.addi %mul3A_434, %add3A_508 : vector<16xi32>
      %gather3A_510 = arith.constant 0 : i32
      %gather3A_511 = tpu.memref_slice %arg9[%rem3A_35, %gather3A_510] : memref<2x832xf32, #tpu.memory_space<vmem>> -> memref<1x832xf32, #tpu.memory_space<vmem>>
      %gather3A_512 = tpu.memref_squeeze %gather3A_511 : memref<1x832xf32, #tpu.memory_space<vmem>> -> memref<832xf32, #tpu.memory_space<vmem>>
      %gather3A_513 = tpu.vector_load_idx %gather3A_512[%add3A_509] : memref<832xf32, #tpu.memory_space<vmem>>[vector<16xi32>], vector<16xf32>,
      %add3A_514 = arith.addf %add3A_506, %gather3A_513 : vector<16xf32>
      %add3A_515 = arith.constant 10 : i32
      %add3A_516 = vector.broadcast %add3A_515 : i32 to vector<16xi32>
      %add3A_517 = arith.addi %mul3A_434, %add3A_516 : vector<16xi32>
      %gather3A_518 = arith.constant 0 : i32
      %gather3A_519 = tpu.memref_slice %arg9[%rem3A_35, %gather3A_518] : memref<2x832xf32, #tpu.memory_space<vmem>> -> memref<1x832xf32, #tpu.memory_space<vmem>>
      %gather3A_520 = tpu.memref_squeeze %gather3A_519 : memref<1x832xf32, #tpu.memory_space<vmem>> -> memref<832xf32, #tpu.memory_space<vmem>>
      %gather3A_521 = tpu.vector_load_idx %gather3A_520[%add3A_517] : memref<832xf32, #tpu.memory_space<vmem>>[vector<16xi32>], vector<16xf32>,
      %add3A_522 = arith.addf %add3A_514, %gather3A_521 : vector<16xf32>
      %add3A_523 = arith.constant 11 : i32
      %add3A_524 = vector.broadcast %add3A_523 : i32 to vector<16xi32>
      %add3A_525 = arith.addi %mul3A_434, %add3A_524 : vector<16xi32>
      %gather3A_526 = arith.constant 0 : i32
      %gather3A_527 = tpu.memref_slice %arg9[%rem3A_35, %gather3A_526] : memref<2x832xf32, #tpu.memory_space<vmem>> -> memref<1x832xf32, #tpu.memory_space<vmem>>
      %gather3A_528 = tpu.memref_squeeze %gather3A_527 : memref<1x832xf32, #tpu.memory_space<vmem>> -> memref<832xf32, #tpu.memory_space<vmem>>
      %gather3A_529 = tpu.vector_load_idx %gather3A_528[%add3A_525] : memref<832xf32, #tpu.memory_space<vmem>>[vector<16xi32>], vector<16xf32>,
      %add3A_530 = arith.addf %add3A_522, %gather3A_529 : vector<16xf32>
      %add3A_531 = arith.constant 12 : i32
      %add3A_532 = vector.broadcast %add3A_531 : i32 to vector<16xi32>
      %add3A_533 = arith.addi %mul3A_434, %add3A_532 : vector<16xi32>
      %gather3A_534 = arith.constant 0 : i32
      %gather3A_535 = tpu.memref_slice %arg9[%rem3A_35, %gather3A_534] : memref<2x832xf32, #tpu.memory_space<vmem>> -> memref<1x832xf32, #tpu.memory_space<vmem>>
      %gather3A_536 = tpu.memref_squeeze %gather3A_535 : memref<1x832xf32, #tpu.memory_space<vmem>> -> memref<832xf32, #tpu.memory_space<vmem>>
      %gather3A_537 = tpu.vector_load_idx %gather3A_536[%add3A_533] : memref<832xf32, #tpu.memory_space<vmem>>[vector<16xi32>], vector<16xf32>,
      %add3A_538 = arith.addf %add3A_530, %gather3A_537 : vector<16xf32>
      %add3A_539 = arith.constant 13 : i32
      %add3A_540 = vector.broadcast %add3A_539 : i32 to vector<16xi32>
      %add3A_541 = arith.addi %mul3A_434, %add3A_540 : vector<16xi32>
      %gather3A_542 = arith.constant 0 : i32
      %gather3A_543 = tpu.memref_slice %arg9[%rem3A_35, %gather3A_542] : memref<2x832xf32, #tpu.memory_space<vmem>> -> memref<1x832xf32, #tpu.memory_space<vmem>>
      %gather3A_544 = tpu.memref_squeeze %gather3A_543 : memref<1x832xf32, #tpu.memory_space<vmem>> -> memref<832xf32, #tpu.memory_space<vmem>>
      %gather3A_545 = tpu.vector_load_idx %gather3A_544[%add3A_541] : memref<832xf32, #tpu.memory_space<vmem>>[vector<16xi32>], vector<16xf32>,
      %add3A_546 = arith.addf %add3A_538, %gather3A_545 : vector<16xf32>
      %add3A_547 = arith.constant 14 : i32
      %add3A_548 = vector.broadcast %add3A_547 : i32 to vector<16xi32>
      %add3A_549 = arith.addi %mul3A_434, %add3A_548 : vector<16xi32>
      %gather3A_550 = arith.constant 0 : i32
      %gather3A_551 = tpu.memref_slice %arg9[%rem3A_35, %gather3A_550] : memref<2x832xf32, #tpu.memory_space<vmem>> -> memref<1x832xf32, #tpu.memory_space<vmem>>
      %gather3A_552 = tpu.memref_squeeze %gather3A_551 : memref<1x832xf32, #tpu.memory_space<vmem>> -> memref<832xf32, #tpu.memory_space<vmem>>
      %gather3A_553 = tpu.vector_load_idx %gather3A_552[%add3A_549] : memref<832xf32, #tpu.memory_space<vmem>>[vector<16xi32>], vector<16xf32>,
      %add3A_554 = arith.addf %add3A_546, %gather3A_553 : vector<16xf32>
      %add3A_555 = arith.constant 15 : i32
      %add3A_556 = vector.broadcast %add3A_555 : i32 to vector<16xi32>
      %add3A_557 = arith.addi %mul3A_434, %add3A_556 : vector<16xi32>
      %gather3A_558 = arith.constant 0 : i32
      %gather3A_559 = tpu.memref_slice %arg9[%rem3A_35, %gather3A_558] : memref<2x832xf32, #tpu.memory_space<vmem>> -> memref<1x832xf32, #tpu.memory_space<vmem>>
      %gather3A_560 = tpu.memref_squeeze %gather3A_559 : memref<1x832xf32, #tpu.memory_space<vmem>> -> memref<832xf32, #tpu.memory_space<vmem>>
      %gather3A_561 = tpu.vector_load_idx %gather3A_560[%add3A_557] : memref<832xf32, #tpu.memory_space<vmem>>[vector<16xi32>], vector<16xf32>,
      %add3A_562 = arith.addf %add3A_554, %gather3A_561 : vector<16xf32>
      %add3A_563 = arith.constant 16 : i32
      %add3A_564 = vector.broadcast %add3A_563 : i32 to vector<16xi32>
      %add3A_565 = arith.addi %mul3A_434, %add3A_564 : vector<16xi32>
      %gather3A_566 = arith.constant 0 : i32
      %gather3A_567 = tpu.memref_slice %arg9[%rem3A_35, %gather3A_566] : memref<2x832xf32, #tpu.memory_space<vmem>> -> memref<1x832xf32, #tpu.memory_space<vmem>>
      %gather3A_568 = tpu.memref_squeeze %gather3A_567 : memref<1x832xf32, #tpu.memory_space<vmem>> -> memref<832xf32, #tpu.memory_space<vmem>>
      %gather3A_569 = tpu.vector_load_idx %gather3A_568[%add3A_565] : memref<832xf32, #tpu.memory_space<vmem>>[vector<16xi32>], vector<16xf32>,
      %add3A_570 = arith.addf %add3A_562, %gather3A_569 : vector<16xf32>
      %add3A_571 = arith.constant 17 : i32
      %add3A_572 = vector.broadcast %add3A_571 : i32 to vector<16xi32>
      %add3A_573 = arith.addi %mul3A_434, %add3A_572 : vector<16xi32>
      %gather3A_574 = arith.constant 0 : i32
      %gather3A_575 = tpu.memref_slice %arg9[%rem3A_35, %gather3A_574] : memref<2x832xf32, #tpu.memory_space<vmem>> -> memref<1x832xf32, #tpu.memory_space<vmem>>
      %gather3A_576 = tpu.memref_squeeze %gather3A_575 : memref<1x832xf32, #tpu.memory_space<vmem>> -> memref<832xf32, #tpu.memory_space<vmem>>
      %gather3A_577 = tpu.vector_load_idx %gather3A_576[%add3A_573] : memref<832xf32, #tpu.memory_space<vmem>>[vector<16xi32>], vector<16xf32>,
      %add3A_578 = arith.addf %add3A_570, %gather3A_577 : vector<16xf32>
      %add3A_579 = arith.constant 18 : i32
      %add3A_580 = vector.broadcast %add3A_579 : i32 to vector<16xi32>
      %add3A_581 = arith.addi %mul3A_434, %add3A_580 : vector<16xi32>
      %gather3A_582 = arith.constant 0 : i32
      %gather3A_583 = tpu.memref_slice %arg9[%rem3A_35, %gather3A_582] : memref<2x832xf32, #tpu.memory_space<vmem>> -> memref<1x832xf32, #tpu.memory_space<vmem>>
      %gather3A_584 = tpu.memref_squeeze %gather3A_583 : memref<1x832xf32, #tpu.memory_space<vmem>> -> memref<832xf32, #tpu.memory_space<vmem>>
      %gather3A_585 = tpu.vector_load_idx %gather3A_584[%add3A_581] : memref<832xf32, #tpu.memory_space<vmem>>[vector<16xi32>], vector<16xf32>,
      %add3A_586 = arith.addf %add3A_578, %gather3A_585 : vector<16xf32>
      %add3A_587 = arith.constant 19 : i32
      %add3A_588 = vector.broadcast %add3A_587 : i32 to vector<16xi32>
      %add3A_589 = arith.addi %mul3A_434, %add3A_588 : vector<16xi32>
      %gather3A_590 = arith.constant 0 : i32
      %gather3A_591 = tpu.memref_slice %arg9[%rem3A_35, %gather3A_590] : memref<2x832xf32, #tpu.memory_space<vmem>> -> memref<1x832xf32, #tpu.memory_space<vmem>>
      %gather3A_592 = tpu.memref_squeeze %gather3A_591 : memref<1x832xf32, #tpu.memory_space<vmem>> -> memref<832xf32, #tpu.memory_space<vmem>>
      %gather3A_593 = tpu.vector_load_idx %gather3A_592[%add3A_589] : memref<832xf32, #tpu.memory_space<vmem>>[vector<16xi32>], vector<16xf32>,
      %add3A_594 = arith.addf %add3A_586, %gather3A_593 : vector<16xf32>
      %add3A_595 = arith.constant 20 : i32
      %add3A_596 = vector.broadcast %add3A_595 : i32 to vector<16xi32>
      %add3A_597 = arith.addi %mul3A_434, %add3A_596 : vector<16xi32>
      %gather3A_598 = arith.constant 0 : i32
      %gather3A_599 = tpu.memref_slice %arg9[%rem3A_35, %gather3A_598] : memref<2x832xf32, #tpu.memory_space<vmem>> -> memref<1x832xf32, #tpu.memory_space<vmem>>
      %gather3A_600 = tpu.memref_squeeze %gather3A_599 : memref<1x832xf32, #tpu.memory_space<vmem>> -> memref<832xf32, #tpu.memory_space<vmem>>
      %gather3A_601 = tpu.vector_load_idx %gather3A_600[%add3A_597] : memref<832xf32, #tpu.memory_space<vmem>>[vector<16xi32>], vector<16xf32>,
      %add3A_602 = arith.addf %add3A_594, %gather3A_601 : vector<16xf32>
      %add3A_603 = arith.constant 21 : i32
      %add3A_604 = vector.broadcast %add3A_603 : i32 to vector<16xi32>
      %add3A_605 = arith.addi %mul3A_434, %add3A_604 : vector<16xi32>
      %gather3A_606 = arith.constant 0 : i32
      %gather3A_607 = tpu.memref_slice %arg9[%rem3A_35, %gather3A_606] : memref<2x832xf32, #tpu.memory_space<vmem>> -> memref<1x832xf32, #tpu.memory_space<vmem>>
      %gather3A_608 = tpu.memref_squeeze %gather3A_607 : memref<1x832xf32, #tpu.memory_space<vmem>> -> memref<832xf32, #tpu.memory_space<vmem>>
      %gather3A_609 = tpu.vector_load_idx %gather3A_608[%add3A_605] : memref<832xf32, #tpu.memory_space<vmem>>[vector<16xi32>], vector<16xf32>,
      %add3A_610 = arith.addf %add3A_602, %gather3A_609 : vector<16xf32>
      %add3A_611 = arith.constant 22 : i32
      %add3A_612 = vector.broadcast %add3A_611 : i32 to vector<16xi32>
      %add3A_613 = arith.addi %mul3A_434, %add3A_612 : vector<16xi32>
      %gather3A_614 = arith.constant 0 : i32
      %gather3A_615 = tpu.memref_slice %arg9[%rem3A_35, %gather3A_614] : memref<2x832xf32, #tpu.memory_space<vmem>> -> memref<1x832xf32, #tpu.memory_space<vmem>>
      %gather3A_616 = tpu.memref_squeeze %gather3A_615 : memref<1x832xf32, #tpu.memory_space<vmem>> -> memref<832xf32, #tpu.memory_space<vmem>>
      %gather3A_617 = tpu.vector_load_idx %gather3A_616[%add3A_613] : memref<832xf32, #tpu.memory_space<vmem>>[vector<16xi32>], vector<16xf32>,
      %add3A_618 = arith.addf %add3A_610, %gather3A_617 : vector<16xf32>
      %add3A_619 = arith.constant 23 : i32
      %add3A_620 = vector.broadcast %add3A_619 : i32 to vector<16xi32>
      %add3A_621 = arith.addi %mul3A_434, %add3A_620 : vector<16xi32>
      %gather3A_622 = arith.constant 0 : i32
      %gather3A_623 = tpu.memref_slice %arg9[%rem3A_35, %gather3A_622] : memref<2x832xf32, #tpu.memory_space<vmem>> -> memref<1x832xf32, #tpu.memory_space<vmem>>
      %gather3A_624 = tpu.memref_squeeze %gather3A_623 : memref<1x832xf32, #tpu.memory_space<vmem>> -> memref<832xf32, #tpu.memory_space<vmem>>
      %gather3A_625 = tpu.vector_load_idx %gather3A_624[%add3A_621] : memref<832xf32, #tpu.memory_space<vmem>>[vector<16xi32>], vector<16xf32>,
      %add3A_626 = arith.addf %add3A_618, %gather3A_625 : vector<16xf32>
      %add3A_627 = arith.constant 24 : i32
      %add3A_628 = vector.broadcast %add3A_627 : i32 to vector<16xi32>
      %add3A_629 = arith.addi %mul3A_434, %add3A_628 : vector<16xi32>
      %gather3A_630 = arith.constant 0 : i32
      %gather3A_631 = tpu.memref_slice %arg9[%rem3A_35, %gather3A_630] : memref<2x832xf32, #tpu.memory_space<vmem>> -> memref<1x832xf32, #tpu.memory_space<vmem>>
      %gather3A_632 = tpu.memref_squeeze %gather3A_631 : memref<1x832xf32, #tpu.memory_space<vmem>> -> memref<832xf32, #tpu.memory_space<vmem>>
      %gather3A_633 = tpu.vector_load_idx %gather3A_632[%add3A_629] : memref<832xf32, #tpu.memory_space<vmem>>[vector<16xi32>], vector<16xf32>,
      %add3A_634 = arith.addf %add3A_626, %gather3A_633 : vector<16xf32>
      %add3A_635 = arith.constant 25 : i32
      %add3A_636 = vector.broadcast %add3A_635 : i32 to vector<16xi32>
      %add3A_637 = arith.addi %mul3A_434, %add3A_636 : vector<16xi32>
      %gather3A_638 = arith.constant 0 : i32
      %gather3A_639 = tpu.memref_slice %arg9[%rem3A_35, %gather3A_638] : memref<2x832xf32, #tpu.memory_space<vmem>> -> memref<1x832xf32, #tpu.memory_space<vmem>>
      %gather3A_640 = tpu.memref_squeeze %gather3A_639 : memref<1x832xf32, #tpu.memory_space<vmem>> -> memref<832xf32, #tpu.memory_space<vmem>>
      %gather3A_641 = tpu.vector_load_idx %gather3A_640[%add3A_637] : memref<832xf32, #tpu.memory_space<vmem>>[vector<16xi32>], vector<16xf32>,
      %add3A_642 = arith.addf %add3A_634, %gather3A_641 : vector<16xf32>
      %mul3A_643 = arith.constant 5.000000e-01 : f32
      %mul3A_644 = vector.broadcast %mul3A_643 : f32 to vector<16xf32>
      %mul3A_645 = arith.mulf %mul3A_644, %add3A_429 : vector<16xf32>
      %add3A_646 = arith.addf %mul3A_645, %add3A_642 : vector<16xf32>
      %add3A_647 = arith.addf %add3A_646, %get3A_22 : vector<16xf32>
      %neg3A_648 = arith.constant 0.000000e+00 : f32
      %neg3A_649 = vector.broadcast %neg3A_648 : f32 to vector<16xf32>
      %neg3A_650 = arith.subf %neg3A_649, %add3A_647 : vector<16xf32>
      %exp3A_651 = math.exp %neg3A_650 : vector<16xf32>
      %add3A_652 = arith.constant 1.000000e+00 : f32
      %add3A_653 = vector.broadcast %add3A_652 : f32 to vector<16xf32>
      %add3A_654 = arith.addf %add3A_653, %exp3A_651 : vector<16xf32>
      %div3A_655 = arith.constant 5.500000e+00 : f32
      %div3A_656 = vector.broadcast %div3A_655 : f32 to vector<16xf32>
      %div3A_657 = arith.divf %div3A_656, %add3A_654 : vector<16xf32>
      %mul3A_658 = arith.constant 32 : i32
      %mul3A_659 = arith.muli %add3A_34, %mul3A_658 : i32
      %add3A_660 = arith.constant 16 : i32
      %add3A_661 = arith.addi %mul3A_659, %add3A_660 : i32
      %multiple_of3A_662 = tpu.assume_multiple %add3A_661, 16 : i32
      %swap3A_663 = arith.index_cast %multiple_of3A_662 : i32 to index
      %swap3A_664 = tpu.vector_load %arg10[%swap3A_663] {strides = array<i32>} : memref<512xf32, #tpu.memory_space<vmem>>, vector<16xf32>,
      tpu.vector_store %arg10[%swap3A_663], %div3A_657 {strides = array<i32>} : memref<512xf32, #tpu.memory_space<vmem>>, vector<16xf32>,
    }
    %scan3A_26 = arith.constant 16 : i32
    %mul3A_27 = arith.constant 512 : i32
    %mul3A_28 = arith.muli %add3A, %mul3A_27 : i32
    %multiple_of3A_29 = tpu.assume_multiple %mul3A_28, 512 : i32
    "tpu.region"() ({
      %run_scoped3A = tpu.sem_alloc : memref<!tpu.dma_semaphore, #tpu.memory_space<semaphore_mem>>
      %dma_start3A_30 = tpu.memref_slice %arg6[%multiple_of3A_29] : memref<16384xf32, #tpu.memory_space<hbm>> -> memref<512xf32, #tpu.memory_space<hbm>>
      %dma_start3A_31 = tpu.memref_slice %arg6[%multiple_of3A_29] : memref<16384xf32, #tpu.memory_space<hbm>> -> memref<512xf32, #tpu.memory_space<hbm>>
      tpu.enqueue_dma source(%arg10 : memref<512xf32, #tpu.memory_space<vmem>>) target(%dma_start3A_31 : memref<512xf32, #tpu.memory_space<hbm>>) target_semaphore(%run_scoped3A : memref<!tpu.dma_semaphore, #tpu.memory_space<semaphore_mem>>)
      %dma_wait3A = tpu.memref_slice %arg6[%multiple_of3A_29] : memref<16384xf32, #tpu.memory_space<hbm>> -> memref<512xf32, #tpu.memory_space<hbm>>
      %dma_wait3A_32 = tpu.memref_slice %arg6[%multiple_of3A_29] : memref<16384xf32, #tpu.memory_space<hbm>> -> memref<512xf32, #tpu.memory_space<hbm>>
      tpu.wait_dma2 semaphore(%run_scoped3A : memref<!tpu.dma_semaphore, #tpu.memory_space<semaphore_mem>>) src(%arg10 : memref<512xf32, #tpu.memory_space<vmem>>) dst(%dma_wait3A_32 : memref<512xf32, #tpu.memory_space<hbm>>)
      tpu.yield
    }) : () -> ()
    return
  }
}

</mosaic_0001>

<sc_bundles>
// kernel: kernel.3.cloned.1.call-start
scs
__scs_entry_jumppad:
0x0: {  	(pc) =	sbr.rel $0x88, $3  }
0x1: {  	(tag) =	ssettag $0x0;
	lr =	simm.s32 $0x1  }
0x2: {  	[smem:$0x3F9D] =	sst lr;
	_ =	strace $0xD0000000  }
0x3: {  	_ = 	snop  }
0x4: {  	_ = 	snop  }
0x5: {  	_ = 	snop  }
0x6: {  	_ = 	snop  }
0x7: {  	_ = 	snop  }
__scs_overlays_trampoline_lowered:
0x8: {  	[smem:$0x3FAC] =	sst s0  }
0x9: {  	[smem:$0x3FAD] =	sst s1  }
0xa: {  	[smem:$0x3FAE] =	sst s2  }
0xb: {  	[smem:$0x3FAF] =	sst s3  }
0xc: {  	[smem:$0x3FB0] =	sst s4  }
0xd: {  	[smem:$0x3FB1] =	sst s5  }
0xe: {  	[smem:$0x3FB2] =	sst s6  }
0xf: {  	[smem:$0x3FB3] =	sst s7  }
0x10: {  	[smem:$0x3FB4] =	sst s8  }
0x11: {  	[smem:$0x3FB5] =	sst s9;
	s0 =	simm.s32 @!p0 $0x0  }
0x12: {  	s1 =	sld [smem:$0x3F9B];
	s0 =	simm.s32 @p0 $0x1  }
0x13: {  	[smem:$0x3FB6] =	sst s0;
	s0 =	simm.s32 @!p1 $0x0  }
0x14: {  	s2 =	sld [smem:$0x3F9A];
	s0 =	simm.s32 @p1 $0x1  }
0x15: {  	[smem:$0x3FB7] =	sst s0;
	s0 =	simm.s32 @!p2 $0x0  }
0x16: {  	s3 =	sld [smem:$0x3FDB];
	s0 =	simm.s32 @p2 $0x1  }
0x17: {  	s4 =	simm.s32 $0x1BF5;
	[smem:$0x3FB9] =	sst s0  }
0x18: {  	s0 =	sld [smem:$0x3F9C];
	_ =	swait.ge [sflag:s4], $0x0  }
0x19: {  	s7 =	sld [smem:$0x3F9D]  }
0x1a: {  	s8 =	sadd.s32 $0xFFFFE003, lr  }
0x1b: {  	s9 =	sadd.s32 $0xFFFFFEF7, lr;
	s5 =	simm.s32 $0xFFFFFFFF;
	p2 =	slt.u32 s8, $0xFFFFF086  }
0x1c: {  	p1 =	slt.u32 s9, $0xF7A;
	s5 =	simm.s32 @!p2 $0x0  }
0x1d: {  	s5 =	simm.s32 @p1 $0x1;
	p0 =	seq.s32 s7, s2  }
0x1e: {  	s7 =	smul.u32 @!p0 $0xF7A, s2;
	p2 =	seq.s32 @!p0 s5, $0x0  }
0x1f: {  	s9 =	smul.u32 $0xF7A, s1;
	s8 =	simm.s32 @!p0 $0x1BF5;
	p2 =	por !p2, p0  }
0x20: {  	[sflag:s8] =	ssyncset.s32 @!p0 $0xFFFFF086;
	s6 =	sadd.s32 @!p0 s3, s7;
	s7 =	simm.s32 @!p0 $0x108  }
0x21: {  	s3 =	sadd.s32 s3, s9;
	s6 =	sadd.s32 @!p0 $0x88, s6;
	s7 =	simm.s32 @p2 $0x1082  }
0x22: {  	[simem:s7], [sflag:s8] =	dma.local @!p0 [hbm:s6], $0xF7A  }
0x23: {  	s9 =	sor.u32 $0xD0000000, s2;
	s6 =	simm.s32 $0x108;
	_ =	swait.ge @!p0 [sflag:s8], $0x0  }
0x24: {  	s3 =	sadd.s32 $0x88, s3;
	s6 =	simm.s32 @!p1 $0x1082;
	[sflag:s4] =	ssyncset.s32 $0xFFFFF086  }
0x25: {  	[simem:s6], [sflag:s4] =	dma.local [hbm:s3], $0xF7A  }
0x26: {  	[smem:$0x3F9D] =	sst s1;
	(tag) =	ssettag s2;
	_ =	strace s9  }
0x27: {  	s1 =	sld [smem:$0x3FAD]  }
0x28: {  	s2 =	sld [smem:$0x3FAE]  }
0x29: {  	s4 =	sld [smem:$0x3FB0]  }
0x2a: {  	p0 =	seq.s32 s5, $0x0;
	s5 =	sld [smem:$0x3FB1]  }
0x2b: {  	s6 =	sld [smem:$0x3FB2]  }
0x2c: {  	s7 =	sld [smem:$0x3FB3]  }
0x2d: {  	s3 =	simm.s32 $0x108;
	s8 =	sld [smem:$0x3FB4]  }
0x2e: {  	s3 =	simm.s32 @!p0 $0x1082;
	s9 =	sld [smem:$0x3FB5]  }
0x2f: {  	lr =	sadd.s32 s0, s3;
	s0 =	sld [smem:$0x3FAC]  }
0x30: {  	s3 =	sld [smem:$0x3FAF]  }
0x31: {  	[smem:$0x3FB8] =	sst s10  }
0x32: {  	s10 =	sld [smem:$0x3FB6];
	_ =	sdelay $0x3  }
0x33: {  	p0 =	seq.s32 s10, $0x1;
	s10 =	sld [smem:$0x3FB8];
	_ =	sdelay $0x3  }
0x34: {  	[smem:$0x3FB8] =	sst s10  }
0x35: {  	s10 =	sld [smem:$0x3FB7];
	_ =	sdelay $0x3  }
0x36: {  	p1 =	seq.s32 s10, $0x1;
	s10 =	sld [smem:$0x3FB8];
	_ =	sdelay $0x3  }
0x37: {  	[smem:$0x3FB8] =	sst s10  }
0x38: {  	s10 =	sld [smem:$0x3FB9]  }
0x39: {  	_ = 	snop;
	(pc) =	sbr.ind lr, $3  }
0x3a: {  	_ = 	snop  }
0x3b: {  	_ = 	snop  }
0x3c: {  	p2 =	seq.s32 s10, $0x1;
	s10 =	sld [smem:$0x3FB8]  }
0x3d: {  	_ =	shalt  }
0x3e: {  	_ =	shalt  }
0x3f: {  	_ =	shalt  }
0x40: {  	_ =	shalt  }
0x41: {  	_ =	shalt  }
0x42: {  	_ =	shalt  }
0x43: {  	_ =	shalt  }
0x44: {  	_ =	shalt  }
0x45: {  	_ =	shalt  }
0x46: {  	_ =	shalt  }
0x47: {  	_ =	shalt  }
0x48: {  	_ =	shalt  }
0x49: {  	_ =	shalt  }
0x4a: {  	_ =	shalt  }
0x4b: {  	_ =	shalt  }
0x4c: {  	_ =	shalt  }
0x4d: {  	_ =	shalt  }
0x4e: {  	_ =	shalt  }
0x4f: {  	_ =	shalt  }
0x50: {  	_ =	shalt  }
0x51: {  	_ =	shalt  }
0x52: {  	_ =	shalt  }
0x53: {  	_ =	shalt  }
0x54: {  	_ =	shalt  }
0x55: {  	_ =	shalt  }
0x56: {  	_ =	shalt  }
0x57: {  	_ =	shalt  }
0x58: {  	_ =	shalt  }
0x59: {  	_ =	shalt  }
0x5a: {  	_ =	shalt  }
0x5b: {  	_ =	shalt  }
0x5c: {  	_ =	shalt  }
0x5d: {  	_ =	shalt  }
0x5e: {  	_ =	shalt  }
0x5f: {  	_ =	shalt  }
0x60: {  	_ =	shalt  }
0x61: {  	_ =	shalt  }
0x62: {  	_ =	shalt  }
0x63: {  	_ =	shalt  }
0x64: {  	_ =	shalt  }
0x65: {  	_ =	shalt  }
0x66: {  	_ =	shalt  }
0x67: {  	_ =	shalt  }
0x68: {  	_ =	shalt  }
0x69: {  	_ =	shalt  }
0x6a: {  	_ =	shalt  }
0x6b: {  	_ =	shalt  }
0x6c: {  	_ =	shalt  }
0x6d: {  	_ =	shalt  }
0x6e: {  	_ =	shalt  }
0x6f: {  	_ =	shalt  }
0x70: {  	_ =	shalt  }
0x71: {  	_ =	shalt  }
0x72: {  	_ =	shalt  }
0x73: {  	_ =	shalt  }
0x74: {  	_ =	shalt  }
0x75: {  	_ =	shalt  }
0x76: {  	_ =	shalt  }
0x77: {  	_ =	shalt  }
0x78: {  	_ =	shalt  }
0x79: {  	_ =	shalt  }
0x7a: {  	_ =	shalt  }
0x7b: {  	_ =	shalt  }
0x7c: {  	_ =	shalt  }
0x7d: {  	_ =	shalt  }
0x7e: {  	_ =	shalt  }
0x7f: {  	_ =	shalt  }
0x80: {  	_ =	shalt  }
0x81: {  	_ =	shalt  }
0x82: {  	_ =	shalt  }
0x83: {  	_ =	shalt  }
0x84: {  	_ =	shalt  }
0x85: {  	_ =	shalt  }
0x86: {  	_ =	shalt  }
0x87: {  	_ =	shalt  }
.Lfunc_end0:
.L_simem_size_0:
called_computation_lowered:
.L_overlay_start_0:
0x88: {  	s2 =	sld [smem:$0x3FD9]  }
0x89: {  	s3 =	sld [smem:$0x3FFE];
	_ =	sdelay $0x1  }
0x8a: {  	s1 =	srdreg.scid  }
0x8b: {  	s0 =	sand.u32 $0x1, s1  }
0x8c: {  	s17 =	sshll.u32 s0, $0xA;
	s2 =	sadd.s32 s3, s2  }
0x8d: {  	s2 =	sadd.s32 s2, s17  }
0x8e: {  	[smem:$0x3FC4] =	sst s2  }
0x8f: {  	_ = 	snop  }
0x90: {  	s2 =	sld [smem:$0x3FD0];
	(tm) =	ssettm $0x1  }
0x91: {  	s18 =	sld [smem:$0x3FFB];
	_ =	sdelay $0x3  }
0x92: {  	_ =	strace s18  }
0x93: {  	s3 =	sld [smem:$0x3FFC];
	_ =	sdelay $0x3  }
0x94: {  	_ =	strace s3  }
0x95: {  	s3 =	sld [smem:$0x3FFD];
	_ =	sdelay $0x3  }
0x96: {  	_ =	strace s3  }
0x97: {  	_ =	strace $0x8FFFFFFF  }
0x98: {  	s19 =	sld [smem:$0x3FDB];
	_ =	sdelay $0x1  }
0x99: {  	s4 =	simm.s32 $_scs_section_size  }
0x9a: {  	s5 =	simm.s32 $_size__tile_overlayer_lowered;
	s6 =	simm.s32 $_tile_overlayer_lowered  }
0x9b: {  	s22 =	simm.s32 $0x1BFF;
	s21 =	sshll.u32 s6, $0x1;
	s3 =	sadd.s32 s4, s19  }
0x9c: {  	s7 =	simm.s32 $0x0;
	s20 =	sshll.u32 s5, $0x1;
	s5 =	sadd.s32 s21, s3  }
0x9d: {  	[timem:s7], [sflag:s22] =	dma.local [hbm:s5], s20  }
0x9e: {  	_ =	swait.ge [sflag:s22], s20  }
0x9f: {  	s4 =	ssub.s32 $0x0, s20;
	[sflag:s22] =	ssyncset.done $0x0  }
0xa0: {  	[sflag:s22] =	ssyncadd.s32 s4;
	_ =	sdelay $0x1  }
0xa1: {  	s23 =	simm.s32 $0x1B8B  }
0xa2: {  	_ =	swait.ge [sflag:s23], $0x1  }
0xa3: {  	[sflag:s23] =	ssyncset.done $0x0  }
0xa4: {  	s25 =	simm.s32 $0x1B8E;
	s24 =	sld [smem:$0x3FFE];
	[sflag:s23] =	ssyncadd.s32 $0xFFFFFFFF  }
0xa5: {  	s26 =	simm.s32 $execute0_lowered;
	[smem:$0x3FD2] =	sst s25  }
0xa6: {  	s5 =	sshll.u32 s26, $0x1;
	_ =	strace $0x80000046;
	[dreg:$0x1] =	wrdreg $0xFFFFFFFF  }
0xa7: {  	s28 =	simm.s32 $_size_execute0_lowered;
	s3 =	sadd.s32 s3, s5;
	[dreg:$0x0] =	wrdreg $0x0  }
0xa8: {  	s5 =	sshll.u32 s28, $0x1;
	[dreg:$0x2] =	wrdreg s3  }
0xa9: {  	[dreg:$0x3] =	wrdreg s5  }
0xaa: {  	[dreg:$0x4] =	wrdreg $0xC0  }
0xab: {  	_ =	task [dreg:s7], $0x5FFFF  }
0xac: {  	[dreg:$0x1] =	wrdreg $0xFFFFFFFF  }
0xad: {  	[dreg:$0x0] =	wrdreg $0x60  }
0xae: {  	[dreg:$0x2] =	wrdreg s24  }
0xaf: {  	[dreg:$0x3] =	wrdreg s2  }
0xb0: {  	[dreg:$0x4] =	wrdreg $0x9  }
0xb1: {  	_ =	task.clear_ibuf [dreg:s7], $0x5FFFF;
	_ =	strace $0x90000046  }
0xb2: {  	s29 =	simm.s32 $0x9;
	_ =	strace $0x80000048  }
0xb3: {  	_ =	swait.ge [sflag:s29], $0x1  }
0xb4: {  	[sflag:s29] =	ssyncadd.s32 $0xFFFFFFFF  }
0xb5: {  	_ =	strace $0x90000048  }
0xb6: {  	_ =	sfence  }
0xb7: {  	s30 =	sld [smem:$0x0];
	_ =	sdelay $0x2  }
0xb8: {  	s31 =	sshll.u32 s1, $0xD;
	s1 =	sshrl.u32 s1, $0x2  }
0xb9: {  	s3 =	sand.u32 $0x4000, s31;
	s1 =	sadd.s32 s1, s30  }
0xba: {  	s0 =	sor.u32 s3, s0;
	s1 =	sshll.u32 s1, $0x11  }
0xbb: {  	s0 =	sor.u32 s1, s0  }
0xbc: {  	s0 =	sadd.s32 $0x8F2B, s0  }
0xbd: {  	[sflag:s0] =	ssyncadd.remote.s32 $0x1  }
0xbe: {  	_ =	sfence.sel $0xFFFF  }
0xbf: {  	[dreg:$0x0] =	wrdreg $0xFFFFFFFF;
	(pc) =	sbr.abs _section_cstart, $3  }
0xc0: {  	[dreg:$0x1] =	wrdreg $0xFFFFFFFF  }
0xc1: {  	_ =	task.clear_ibuf [dreg:s7], $0x2FFFF;
	_ =	strace $0x9FFFFFFF  }
0xc2: {  	(tm) =	ssettm $0x7FFFFFFF  }
0xc3: {  	_ =	shalt  }
tec
execute0_lowered:
.L_overlay_start_1:
0x0: {  	(tag) =	ssettag $0x1  }
0x1: {  	s1 =	srdreg.scid;
	s5 =	rddreg [dreg:$0x0]  }
0x2: {  	s0 =	stileid.u32;
	s7 =	rddreg [dreg:$0x1];
	s2 =	simm.s32 $0x0  }
0x3: {  	s11 =	simm.s32 $0x340;
	s12 =	simm.s32 $0x3400;
	s13 =	simm.s32 $0x10400  }
0x4: {  	s14 =	simm.s32 $0x1;
	s15 =	simm.s32 $0x10C80;
	s16 =	simm.s32 $0x10A80  }
0x5: {  	s3 =	sand.u32 $0x1, s1;
	s30 =	sshll.u32 s0, $0x1;
	s1 =	rddreg [dreg:$0x2]  }
0x6: {  	v0 =	vlaneseq.u32;
	s17 =	simm.s32 $0x0;
	[smem:$0x7FF] =	sst s2;
	s6 =	sor.u32 s3, s30  }
0x7: {  	v1 =	vmul.u32 $0x18, v0;
	_ =	strace $0x80000047;
	s9 =	ssub.s32 $0x2, s3;
	s3 =	sadd.s32 $0x2BE00, s5  }
0x8: {  	s4 =	smul.u32 $0x680, s6;
	s10 =	sshrl.u32 s9, $0x1;
	s31 =	sshll.u32 s6, $0x6  }
0x9: {  	v2 =	vor.u32 $0x1, v1;
	s9 =	ssub.s32 s9, s10;
	s7 =	sadd.s32 s7, s31;
	s10 =	simm.s32 $0x10F80  }
0xa: {  	v3 =	vor.u32 $0x2, v1;
	v4 =	vor.u32 $0x3, v1;
	v5 =	vor.u32 $0x4, v1;
	s8 =	sadd.s32 s4, s5;
	s4 =	sadd.s32 $0xD400, s5;
	s5 =	sadd.s32 $0xF42800, s5  }
0xb: {  	v6 =	vor.u32 $0x5, v1;
	v7 =	vor.u32 $0x6, v1;
	v8 =	vor.u32 $0x7, v1;
	s6 =	sadd.s32 $0x400, s8;
	s8 =	smax.u32 s9, $0x1;
	s9 =	simm.s32 $0x2  }
.LBB2_1:
0xc: {  	[tilespmem:s2], [sflag:$0x2] =	stream.linear.gather [hbm4b:s6+s2], $0x3400, $0x38;
	[tilespmem:$0x10F90] =	vst v63  }
0xd: {  	_ =	swait.ge [sflag:s9], $0x3400  }
0xe: {  	[sflag:s9] =	ssyncset.done $0x0  }
0xf: {  	[sflag:s9] =	ssyncadd.s32 $0xFFFFCC00  }
0x10: {  	[tilespmem:s10], [sflag:$0x2] =	stream.linear.gather [hbm4b:s3+s2], $0x10, $0x38;
	[tilespmem:$0x10F90] =	vst v63  }
0x11: {  	_ =	swait.ge [sflag:s9], $0x10  }
0x12: {  	[sflag:s9] =	ssyncset.done $0x0  }
0x13: {  	[sflag:s9] =	ssyncadd.s32 $0xFFFFFFF0  }
0x14: {  	[tilespmem:s12], [sflag:$0x1] =	stream.indirect.gather [hbm4b:s5+s11], $0x20, s2, s11, $0xb8;
	[tilespmem:$0x10F90] =	vst v63  }
0x15: {  	_ = 	snop  }
0x16: {  	[tilespmem:s13], [sflag:$0x1] =	stream.indirect.gather [hbm4b:s4+s11], $0x1, s2, s11, $0xb8;
	[tilespmem:$0x10F90] =	vst v63  }
0x17: {  	p0 =	por $0x0, $0x0;
	s19 =	simm.s32 $0x0;
	v9 =	vld [tilespmem:$0x10F80]  }
.LBB2_2:
0x18: {  	s20 =	sand.u32 $0x1, s19  }
0x19: {  	_ =	swait.ge [sflag:s14], $0x6800;
	p1 =	seq.s32 s19, $0xF;
	s18 =	sadd.s32 $0x1, s19  }
0x1a: {  	s22 =	simm.s32 $0x1;
	s21 =	sxor.u32 @!p1 $0x1, s20;
	s24 =	smul.u32 @!p1 $0xD00, s18  }
0x1b: {  	[sflag:s14] =	ssyncset.done $0x0;
	s22 =	simm.s32 @!p0 $0x0;
	s23 =	smul.u32 @!p1 $0x1A000, s21  }
0x1c: {  	s25 =	simm.s32 @!p1 $0x340;
	[sflag:s14] =	ssyncadd.s32 $0xFFFF9800;
	s22 =	smul.u32 $0x1A000, s22  }
0x1d: {  	s21 =	smul.u32 @!p1 $0xD00, s21;
	_ =	swait.ge [sflag:s14], $0x340;
	s24 =	sshra.s32 @!p1 s24, $0x2  }
0x1e: {  	[sflag:s14] =	ssyncset.done $0x0;
	s23 =	sshrl.u32 @!p1 s23, $0x2;
	s22 =	sshrl.u32 s22, $0x2  }
0x1f: {  	s21 =	sshrl.u32 @!p1 s21, $0x2;
	[sflag:s14] =	ssyncadd.s32 $0xFFFFFCC0;
	s23 =	sadd.s32 @!p1 $0x3400, s23  }
0x20: {  	[tilespmem:s23], [sflag:$0x1] =	stream.indirect.gather @!p1 [hbm4b:s5+s25], $0x20, s24, s25, $0xb8;
	[tilespmem:$0x10F90] =	vst v63  }
0x21: {  	s22 =	sadd.s32 $0x35A0, s22;
	s21 =	sor.u32 @!p1 $0x10400, s21  }
0x22: {  	[tilespmem:s21], [sflag:$0x1] =	stream.indirect.gather @!p1 [hbm4b:s4+s25], $0x1, s24, s25, $0xb8;
	[tilespmem:$0x10F90] =	vst v63  }
0x23: {  	v11 =	vld [tilespmem:s22+$0xFFFFFE60]  }
0x24: {  	s23 =	simm.s32 $0x60;
	s21 =	simm.s32 $0x0;
	v10 =	vld [tilespmem:s22+$0xFFFFFE70]  }
.LBB2_3:
0x25: {  	p1 =	sne.s32 s23, $0xBA0;
	v12 =	vld [tilespmem:s22+$0xFFFFFE80]  }
0x26: {  	v13 =	vld [tilespmem:s22+$0xFFFFFE90]  }
0x27: {  	v14 =	vld [tilespmem:s22+$0xFFFFFEA0]  }
0x28: {  	v15 =	vadd.f32 $0.0e+00, v11;
	v16 =	vld [tilespmem:s22+$0xFFFFFEB0]  }
0x29: {  	v17 =	vadd.f32 $0.0e+00, v10;
	v18 =	vld [tilespmem:s22+$0xFFFFFEC0]  }
0x2a: {  	v11 =	vmul.f32 v11, v11;
	v15 =	vadd.f32 v12, v15;
	v12 =	vmul.f32 v12, v12;
	v19 =	vld [tilespmem:s22+$0xFFFFFED0]  }
0x2b: {  	v10 =	vmul.f32 v10, v10;
	v17 =	vadd.f32 v13, v17;
	v13 =	vmul.f32 v13, v13;
	v20 =	vld [tilespmem:s22+$0xFFFFFEE0]  }
0x2c: {  	v11 =	vadd.f32 v12, v11;
	v12 =	vadd.f32 v14, v15;
	v14 =	vmul.f32 v14, v14;
	v15 =	vld [tilespmem:s22+$0xFFFFFEF0]  }
0x2d: {  	v10 =	vadd.f32 v13, v10;
	v13 =	vadd.f32 v16, v17;
	v16 =	vmul.f32 v16, v16;
	v17 =	vld [tilespmem:s22+$0xFFFFFF00]  }
0x2e: {  	v11 =	vadd.f32 v14, v11;
	v12 =	vadd.f32 v18, v12;
	v14 =	vmul.f32 v18, v18;
	v18 =	vld [tilespmem:s22+$0xFFFFFF10]  }
0x2f: {  	v10 =	vadd.f32 v16, v10;
	v13 =	vadd.f32 v19, v13;
	v16 =	vmul.f32 v19, v19;
	v19 =	vld [tilespmem:s22+$0xFFFFFF20]  }
0x30: {  	v11 =	vadd.f32 v14, v11;
	v12 =	vadd.f32 v20, v12;
	v14 =	vmul.f32 v20, v20;
	v20 =	vld [tilespmem:s22+$0xFFFFFF30]  }
0x31: {  	v10 =	vadd.f32 v16, v10;
	v13 =	vadd.f32 v15, v13;
	v15 =	vmul.f32 v15, v15;
	v16 =	vld [tilespmem:s22+$0xFFFFFF40]  }
0x32: {  	v11 =	vadd.f32 v14, v11;
	v12 =	vadd.f32 v17, v12;
	v14 =	vmul.f32 v17, v17;
	v17 =	vld [tilespmem:s22+$0xFFFFFF50]  }
0x33: {  	v10 =	vadd.f32 v15, v10;
	v13 =	vadd.f32 v18, v13;
	v15 =	vmul.f32 v18, v18;
	v18 =	vld [tilespmem:s22+$0xFFFFFF60]  }
0x34: {  	v11 =	vadd.f32 v14, v11;
	v12 =	vadd.f32 v19, v12;
	v14 =	vmul.f32 v19, v19;
	v19 =	vld [tilespmem:s22+$0xFFFFFF70]  }
0x35: {  	v10 =	vadd.f32 v15, v10;
	v13 =	vadd.f32 v20, v13;
	v15 =	vmul.f32 v20, v20;
	v20 =	vld [tilespmem:s22+$0xFFFFFF80]  }
0x36: {  	v11 =	vadd.f32 v14, v11;
	v12 =	vadd.f32 v16, v12;
	v14 =	vmul.f32 v16, v16;
	v16 =	vld [tilespmem:s22+$0xFFFFFF90]  }
0x37: {  	v10 =	vadd.f32 v15, v10;
	v13 =	vadd.f32 v17, v13;
	v15 =	vmul.f32 v17, v17;
	v17 =	vld [tilespmem:s22+$0xFFFFFFA0]  }
0x38: {  	v11 =	vadd.f32 v14, v11;
	v12 =	vadd.f32 v18, v12;
	v14 =	vmul.f32 v18, v18;
	v18 =	vld [tilespmem:s22+$0xFFFFFFB0]  }
0x39: {  	v10 =	vadd.f32 v15, v10;
	v13 =	vadd.f32 v19, v13;
	v15 =	vmul.f32 v19, v19;
	v19 =	vld [tilespmem:s22+$0xFFFFFFC0]  }
0x3a: {  	v11 =	vadd.f32 v14, v11;
	v12 =	vadd.f32 v20, v12;
	v14 =	vmul.f32 v20, v20;
	v20 =	vld [tilespmem:s22+$0xFFFFFFD0]  }
0x3b: {  	v10 =	vadd.f32 v15, v10;
	v13 =	vadd.f32 v16, v13;
	v15 =	vmul.f32 v16, v16;
	v16 =	vld [tilespmem:s22+$0xFFFFFFE0]  }
0x3c: {  	v11 =	vadd.f32 v14, v11;
	v12 =	vadd.f32 v17, v12;
	v14 =	vmul.f32 v17, v17;
	v17 =	vld [tilespmem:s22+$0xFFFFFFF0]  }
0x3d: {  	v10 =	vadd.f32 v15, v10;
	v13 =	vadd.f32 v18, v13;
	v15 =	vmul.f32 v18, v18;
	v18 =	vld [tilespmem:s22+$0x0]  }
0x3e: {  	v11 =	vadd.f32 v14, v11;
	v12 =	vadd.f32 v19, v12;
	v14 =	vmul.f32 v19, v19;
	v19 =	vld [tilespmem:s22+$0x10]  }
0x3f: {  	v10 =	vadd.f32 v15, v10;
	v13 =	vadd.f32 v20, v13;
	v15 =	vmul.f32 v20, v20;
	v20 =	vld [tilespmem:s22+$0x20]  }
0x40: {  	v11 =	vadd.f32 v14, v11;
	v12 =	vadd.f32 v16, v12;
	v14 =	vmul.f32 v16, v16;
	v16 =	vld [tilespmem:s22+$0x30]  }
0x41: {  	v10 =	vadd.f32 v15, v10;
	v13 =	vadd.f32 v17, v13;
	v15 =	vmul.f32 v17, v17;
	v17 =	vld [tilespmem:s22+$0x40]  }
0x42: {  	v11 =	vadd.f32 v14, v11;
	v12 =	vadd.f32 v18, v12;
	v14 =	vmul.f32 v18, v18;
	v18 =	vld [tilespmem:s22+$0x50]  }
0x43: {  	v10 =	vadd.f32 v15, v10;
	v13 =	vadd.f32 v19, v13;
	v15 =	vmul.f32 v19, v19;
	v19 =	vld [tilespmem:s22+$0x60]  }
0x44: {  	v11 =	vadd.f32 v14, v11;
	v12 =	vadd.f32 v20, v12;
	v14 =	vmul.f32 v20, v20;
	v20 =	vld [tilespmem:s22+$0x70]  }
0x45: {  	v10 =	vadd.f32 v15, v10;
	v13 =	vadd.f32 v16, v13;
	v15 =	vmul.f32 v16, v16;
	v16 =	vld [tilespmem:s22+$0x80]  }
0x46: {  	v11 =	vadd.f32 v14, v11;
	v12 =	vadd.f32 v17, v12;
	v14 =	vmul.f32 v17, v17;
	v17 =	vld [tilespmem:s22+$0x90]  }
0x47: {  	v10 =	vadd.f32 v15, v10;
	v13 =	vadd.f32 v18, v13;
	v15 =	vmul.f32 v18, v18;
	v18 =	vld [tilespmem:s22+$0xA0]  }
0x48: {  	v11 =	vadd.f32 v14, v11;
	v12 =	vadd.f32 v19, v12;
	v14 =	vmul.f32 v19, v19;
	v19 =	vld [tilespmem:s22+$0xB0]  }
0x49: {  	v10 =	vadd.f32 v15, v10;
	v13 =	vadd.f32 v20, v13;
	v15 =	vmul.f32 v20, v20;
	v20 =	vld [tilespmem:s22+$0xC0]  }
0x4a: {  	v11 =	vadd.f32 v14, v11;
	v12 =	vadd.f32 v16, v12;
	v14 =	vmul.f32 v16, v16;
	v16 =	vld [tilespmem:s22+$0xD0]  }
0x4b: {  	v10 =	vadd.f32 v15, v10;
	v13 =	vadd.f32 v17, v13;
	v15 =	vmul.f32 v17, v17;
	v17 =	vld [tilespmem:s22+$0xE0]  }
0x4c: {  	v11 =	vadd.f32 v14, v11;
	v12 =	vadd.f32 v18, v12;
	v14 =	vmul.f32 v18, v18;
	v18 =	vld [tilespmem:s22+$0xF0]  }
0x4d: {  	v10 =	vadd.f32 v15, v10;
	v13 =	vadd.f32 v19, v13;
	v15 =	vmul.f32 v19, v19;
	v19 =	vld [tilespmem:s22+$0x100]  }
0x4e: {  	v11 =	vadd.f32 v14, v11;
	v12 =	vadd.f32 v20, v12;
	v14 =	vmul.f32 v20, v20;
	v20 =	vld [tilespmem:s22+$0x110]  }
0x4f: {  	v10 =	vadd.f32 v15, v10;
	v13 =	vadd.f32 v16, v13;
	v15 =	vmul.f32 v16, v16;
	v16 =	vld [tilespmem:s22+$0x120]  }
0x50: {  	v11 =	vadd.f32 v14, v11;
	v12 =	vadd.f32 v17, v12;
	v14 =	vmul.f32 v17, v17;
	v17 =	vld [tilespmem:s22+$0x130]  }
0x51: {  	v10 =	vadd.f32 v15, v10;
	v13 =	vadd.f32 v18, v13;
	v15 =	vmul.f32 v18, v18;
	v18 =	vld [tilespmem:s22+$0x140]  }
0x52: {  	v11 =	vadd.f32 v14, v11;
	v12 =	vadd.f32 v19, v12;
	v14 =	vmul.f32 v19, v19;
	v19 =	vld [tilespmem:s22+$0x150]  }
0x53: {  	v10 =	vadd.f32 v15, v10;
	v13 =	vadd.f32 v20, v13;
	v15 =	vmul.f32 v20, v20;
	v20 =	vld [tilespmem:s22+$0x160]  }
0x54: {  	v11 =	vadd.f32 v14, v11;
	v12 =	vadd.f32 v16, v12;
	v14 =	vmul.f32 v16, v16;
	v16 =	vld [tilespmem:s22+$0x170]  }
0x55: {  	v10 =	vadd.f32 v15, v10;
	v13 =	vadd.f32 v17, v13;
	v15 =	vmul.f32 v17, v17;
	v17 =	vld [tilespmem:s22+$0x180]  }
0x56: {  	v11 =	vadd.f32 v14, v11;
	v12 =	vadd.f32 v18, v12;
	v14 =	vmul.f32 v18, v18;
	v18 =	vld [tilespmem:s22+$0x190]  }
0x57: {  	v10 =	vadd.f32 v15, v10;
	v13 =	vadd.f32 v19, v13;
	v15 =	vmul.f32 v19, v19  }
0x58: {  	v11 =	vadd.f32 v14, v11;
	v12 =	vadd.f32 v20, v12;
	v14 =	vmul.f32 v20, v20  }
0x59: {  	v10 =	vadd.f32 v15, v10;
	v13 =	vadd.f32 v16, v13;
	v15 =	vmul.f32 v16, v16  }
0x5a: {  	v11 =	vadd.f32 v14, v11;
	v12 =	vadd.f32 v17, v12;
	v14 =	vmul.f32 v17, v17  }
0x5b: {  	v10 =	vadd.f32 v15, v10;
	v13 =	vadd.f32 v18, v13;
	v15 =	vmul.f32 v18, v18  }
0x5c: {  	v11 =	vadd.f32 v14, v11  }
0x5d: {  	v12 =	vmul.f32 v12, v12;
	v10 =	vadd.f32 v15, v10;
	v13 =	vmul.f32 v13, v13;
	_ =	sdelay $0x1  }
0x5e: {  	v11 =	vsub.f32 v12, v11;
	v10 =	vsub.f32 v13, v10;
	_ =	sdelay $0x1  }
.Ltmp0:
0x5f: {  	v10 =	vadd.f32 v10, v11;
	(pc) =	sbr.rel @p1 .LBB2_3-.Ltmp0, $4  }
0x60: {  	s24 =	sshra.s32 s21, $0x2;
	s21 =	smov.u32 s23  }
0x61: {  	s22 =	sadd.s32 $0x340, s22;
	[tilespmem:s24+$0x10C80] =	vst v10  }
0x62: {  	v11 =	vld [tilespmem:s22+$0xFFFFFE60]  }
0x63: {  	s23 =	sadd.s32 $0x60, s23;
	v10 =	vld [tilespmem:s22+$0xFFFFFE70]  }
0x64: {  	v12 =	vld [tilespmem:s22+$0xFFFFFE80]  }
0x65: {  	v13 =	vld [tilespmem:s22+$0xFFFFFE90]  }
0x66: {  	v14 =	vld [tilespmem:s22+$0xFFFFFEA0]  }
0x67: {  	v16 =	vld [tilespmem:s22+$0xFFFFFEB0];
	v15 =	vadd.f32 $0.0e+00, v11  }
0x68: {  	v18 =	vld [tilespmem:s22+$0xFFFFFEC0];
	v17 =	vadd.f32 $0.0e+00, v10  }
0x69: {  	v19 =	vld [tilespmem:s22+$0xFFFFFED0];
	v11 =	vmul.f32 v11, v11;
	v15 =	vadd.f32 v12, v15;
	v12 =	vmul.f32 v12, v12  }
0x6a: {  	v20 =	vld [tilespmem:s22+$0xFFFFFEE0];
	v10 =	vmul.f32 v10, v10;
	v17 =	vadd.f32 v13, v17;
	v13 =	vmul.f32 v13, v13  }
0x6b: {  	v26 =	vld [tilespmem:s22+$0xFFFFFEF0];
	v11 =	vadd.f32 v12, v11;
	v25 =	vadd.f32 v14, v15;
	v14 =	vmul.f32 v14, v14  }
0x6c: {  	v28 =	vld [tilespmem:s22+$0xFFFFFF00];
	v10 =	vadd.f32 v13, v10;
	v27 =	vadd.f32 v16, v17;
	v16 =	vmul.f32 v16, v16  }
0x6d: {  	v30 =	vld [tilespmem:s22+$0xFFFFFF10];
	v29 =	vmul.f32 v18, v18;
	v11 =	vadd.f32 v14, v11;
	v12 =	vadd.f32 v18, v25  }
0x6e: {  	v32 =	vld [tilespmem:s22+$0xFFFFFF20];
	v31 =	vmul.f32 v19, v19;
	v10 =	vadd.f32 v16, v10;
	v13 =	vadd.f32 v19, v27  }
0x6f: {  	v34 =	vld [tilespmem:s22+$0xFFFFFF30];
	v33 =	vmul.f32 v20, v20;
	v11 =	vadd.f32 v29, v11;
	v12 =	vadd.f32 v20, v12  }
0x70: {  	v35 =	vld [tilespmem:s22+$0xFFFFFF40];
	v15 =	vmul.f32 v26, v26;
	v10 =	vadd.f32 v31, v10;
	v13 =	vadd.f32 v26, v13  }
0x71: {  	v37 =	vld [tilespmem:s22+$0xFFFFFF50];
	v36 =	vmul.f32 v28, v28;
	v11 =	vadd.f32 v33, v11;
	v12 =	vadd.f32 v28, v12  }
0x72: {  	v39 =	vld [tilespmem:s22+$0xFFFFFF60];
	v38 =	vmul.f32 v30, v30;
	v10 =	vadd.f32 v15, v10;
	v13 =	vadd.f32 v30, v13  }
0x73: {  	v41 =	vld [tilespmem:s22+$0xFFFFFF70];
	v40 =	vmul.f32 v32, v32;
	v11 =	vadd.f32 v36, v11;
	v12 =	vadd.f32 v32, v12  }
0x74: {  	v43 =	vld [tilespmem:s22+$0xFFFFFF80];
	v42 =	vmul.f32 v34, v34;
	v10 =	vadd.f32 v38, v10;
	v13 =	vadd.f32 v34, v13  }
0x75: {  	v45 =	vld [tilespmem:s22+$0xFFFFFF90];
	v44 =	vmul.f32 v35, v35;
	v11 =	vadd.f32 v40, v11;
	v12 =	vadd.f32 v35, v12  }
0x76: {  	v47 =	vld [tilespmem:s22+$0xFFFFFFA0];
	v46 =	vmul.f32 v37, v37;
	v10 =	vadd.f32 v42, v10;
	v13 =	vadd.f32 v37, v13  }
0x77: {  	v49 =	vld [tilespmem:s22+$0xFFFFFFB0];
	v48 =	vmul.f32 v39, v39;
	v11 =	vadd.f32 v44, v11;
	v12 =	vadd.f32 v39, v12  }
0x78: {  	v51 =	vld [tilespmem:s22+$0xFFFFFFC0];
	v50 =	vmul.f32 v41, v41;
	v10 =	vadd.f32 v46, v10;
	v13 =	vadd.f32 v41, v13  }
0x79: {  	v53 =	vld [tilespmem:s22+$0xFFFFFFD0];
	v52 =	vmul.f32 v43, v43;
	v11 =	vadd.f32 v48, v11;
	v12 =	vadd.f32 v43, v12  }
0x7a: {  	v55 =	vld [tilespmem:s22+$0xFFFFFFE0];
	v54 =	vmul.f32 v45, v45;
	v10 =	vadd.f32 v50, v10;
	v13 =	vadd.f32 v45, v13  }
0x7b: {  	v57 =	vld [tilespmem:s22+$0xFFFFFFF0];
	v56 =	vmul.f32 v47, v47;
	v11 =	vadd.f32 v52, v11;
	v12 =	vadd.f32 v47, v12  }
0x7c: {  	v59 =	vld [tilespmem:s22+$0x0];
	v58 =	vmul.f32 v49, v49;
	v10 =	vadd.f32 v54, v10;
	v13 =	vadd.f32 v49, v13  }
0x7d: {  	v61 =	vld [tilespmem:s22+$0x10];
	v60 =	vmul.f32 v51, v51;
	v11 =	vadd.f32 v56, v11;
	v12 =	vadd.f32 v51, v12  }
0x7e: {  	v63 =	vld [tilespmem:s22+$0x20];
	v62 =	vmul.f32 v53, v53;
	v10 =	vadd.f32 v58, v10;
	v13 =	vadd.f32 v53, v13  }
0x7f: {  	v24 =	vmul.f32 v55, v55;
	v25 =	vld [tilespmem:s22+$0x30];
	v11 =	vadd.f32 v60, v11;
	v12 =	vadd.f32 v55, v12  }
0x80: {  	v27 =	vld [tilespmem:s22+$0x40];
	v26 =	vmul.f32 v57, v57;
	v10 =	vadd.f32 v62, v10;
	v13 =	vadd.f32 v57, v13  }
0x81: {  	v29 =	vld [tilespmem:s22+$0x50];
	v28 =	vmul.f32 v59, v59;
	v11 =	vadd.f32 v24, v11;
	v12 =	vadd.f32 v59, v12  }
0x82: {  	v31 =	vld [tilespmem:s22+$0x60];
	v30 =	vmul.f32 v61, v61;
	v10 =	vadd.f32 v26, v10;
	v13 =	vadd.f32 v61, v13  }
0x83: {  	v33 =	vld [tilespmem:s22+$0x70];
	v32 =	vmul.f32 v63, v63;
	v11 =	vadd.f32 v28, v11;
	v12 =	vadd.f32 v63, v12  }
0x84: {  	v34 =	vmul.f32 v25, v25;
	v35 =	vld [tilespmem:s22+$0x80];
	v10 =	vadd.f32 v30, v10;
	v13 =	vadd.f32 v25, v13  }
0x85: {  	v36 =	vmul.f32 v27, v27;
	v37 =	vld [tilespmem:s22+$0x90];
	v11 =	vadd.f32 v32, v11;
	v12 =	vadd.f32 v27, v12  }
0x86: {  	v38 =	vmul.f32 v29, v29;
	v39 =	vld [tilespmem:s22+$0xA0];
	v10 =	vadd.f32 v34, v10;
	v13 =	vadd.f32 v29, v13  }
0x87: {  	v40 =	vmul.f32 v31, v31;
	v41 =	vld [tilespmem:s22+$0xB0];
	v11 =	vadd.f32 v36, v11;
	v12 =	vadd.f32 v31, v12  }
0x88: {  	v42 =	vmul.f32 v33, v33;
	v43 =	vld [tilespmem:s22+$0xC0];
	v10 =	vadd.f32 v38, v10;
	v13 =	vadd.f32 v33, v13  }
0x89: {  	v44 =	vmul.f32 v35, v35;
	v45 =	vld [tilespmem:s22+$0xD0];
	v11 =	vadd.f32 v40, v11;
	v12 =	vadd.f32 v35, v12  }
0x8a: {  	v46 =	vmul.f32 v37, v37;
	v47 =	vld [tilespmem:s22+$0xE0];
	v10 =	vadd.f32 v42, v10;
	v13 =	vadd.f32 v37, v13  }
0x8b: {  	v48 =	vmul.f32 v39, v39;
	v49 =	vld [tilespmem:s22+$0xF0];
	v11 =	vadd.f32 v44, v11;
	v12 =	vadd.f32 v39, v12  }
0x8c: {  	v50 =	vmul.f32 v41, v41;
	v51 =	vld [tilespmem:s22+$0x100];
	v10 =	vadd.f32 v46, v10;
	v13 =	vadd.f32 v41, v13  }
0x8d: {  	v52 =	vmul.f32 v43, v43;
	v53 =	vld [tilespmem:s22+$0x110];
	v11 =	vadd.f32 v48, v11;
	v12 =	vadd.f32 v43, v12  }
0x8e: {  	v54 =	vmul.f32 v45, v45;
	v55 =	vld [tilespmem:s22+$0x120];
	v10 =	vadd.f32 v50, v10;
	v13 =	vadd.f32 v45, v13  }
0x8f: {  	v56 =	vmul.f32 v47, v47;
	v57 =	vld [tilespmem:s22+$0x130];
	v11 =	vadd.f32 v52, v11;
	v12 =	vadd.f32 v47, v12  }
0x90: {  	v58 =	vmul.f32 v49, v49;
	v59 =	vld [tilespmem:s22+$0x140];
	v10 =	vadd.f32 v54, v10;
	v13 =	vadd.f32 v49, v13  }
0x91: {  	v60 =	vmul.f32 v51, v51;
	v61 =	vld [tilespmem:s22+$0x150];
	v11 =	vadd.f32 v56, v11;
	v12 =	vadd.f32 v51, v12  }
0x92: {  	v62 =	vmul.f32 v53, v53;
	v63 =	vld [tilespmem:s22+$0x160];
	v10 =	vadd.f32 v58, v10;
	v13 =	vadd.f32 v53, v13  }
0x93: {  	v24 =	vmul.f32 v55, v55;
	v25 =	vld [tilespmem:s22+$0x170];
	v11 =	vadd.f32 v60, v11;
	v12 =	vadd.f32 v55, v12  }
0x94: {  	v26 =	vmul.f32 v57, v57;
	v27 =	vld [tilespmem:s22+$0x180];
	v10 =	vadd.f32 v62, v10;
	v13 =	vadd.f32 v57, v13  }
0x95: {  	v28 =	vmul.f32 v59, v59;
	v29 =	vld [tilespmem:s22+$0x190];
	v11 =	vadd.f32 v24, v11;
	v12 =	vadd.f32 v59, v12  }
0x96: {  	v30 =	vmul.f32 v61, v61;
	v10 =	vadd.f32 v26, v10;
	v13 =	vadd.f32 v61, v13  }
0x97: {  	v31 =	vmul.f32 v63, v63;
	v11 =	vadd.f32 v28, v11;
	v12 =	vadd.f32 v63, v12  }
0x98: {  	v32 =	vmul.f32 v25, v25;
	v10 =	vadd.f32 v30, v10;
	v13 =	vadd.f32 v25, v13  }
0x99: {  	v33 =	vmul.f32 v27, v27;
	v11 =	vadd.f32 v31, v11;
	v12 =	vadd.f32 v27, v12  }
0x9a: {  	v34 =	vmul.f32 v29, v29;
	v10 =	vadd.f32 v32, v10;
	v13 =	vadd.f32 v29, v13  }
0x9b: {  	v11 =	vadd.f32 v33, v11  }
0x9c: {  	v12 =	vmul.f32 v12, v12;
	v35 =	vadd.f32 v34, v10;
	v13 =	vmul.f32 v13, v13  }
0x9d: {  	v10 =	vmul.u32 $0x1A, v0  }
0x9e: {  	v11 =	vsub.f32 v12, v11;
	v36 =	vsub.f32 v13, v35  }
0x9f: {  	s20 =	smul.u32 $0xD00, s20  }
0xa0: {  	v37 =	vor.u32 $0x1, v10;
	v11 =	vadd.f32 v36, v11  }
0xa1: {  	s21 =	sshra.s32 s21, $0x2;
	s20 =	sshrl.u32 s20, $0x2  }
0xa2: {  	s20 =	sor.u32 $0x10400, s20;
	[tilespmem:s21+$0x10C80] =	vst v11;
	v11 =	vadd.s32 $0x2, v10  }
0xa3: {  	v38 =	vld.idx.msk [tilespmem:v10+s20+$0x0], $0xffff  }
0xa4: {  	v39 =	vadd.s32 $0x3, v10  }
0xa5: {  	v12 =	vld.idx.msk [tilespmem:v37+s20+$0x0], $0xffff  }
0xa6: {  	v40 =	vadd.s32 $0x4, v10  }
0xa7: {  	v11 =	vld.idx.msk [tilespmem:v11+s20+$0x0], $0xffff  }
0xa8: {  	v41 =	vadd.s32 $0x5, v10;
	v13 =	vadd.f32 $0.0e+00, v38  }
0xa9: {  	v14 =	vld.idx.msk [tilespmem:v39+s20+$0x0], $0xffff  }
0xaa: {  	v42 =	vadd.s32 $0x6, v10;
	v12 =	vadd.f32 v12, v13  }
0xab: {  	v15 =	vld.idx.msk [tilespmem:v40+s20+$0x0], $0xffff  }
0xac: {  	v43 =	vadd.s32 $0x7, v10;
	v11 =	vadd.f32 v11, v12  }
0xad: {  	v16 =	vld.idx.msk [tilespmem:v41+s20+$0x0], $0xffff  }
0xae: {  	v44 =	vadd.s32 $0x8, v10;
	v11 =	vadd.f32 v14, v11  }
0xaf: {  	v13 =	vld.idx.msk [tilespmem:v42+s20+$0x0], $0xffff  }
0xb0: {  	v45 =	vadd.s32 $0x9, v10;
	v11 =	vadd.f32 v15, v11  }
0xb1: {  	v12 =	vld.idx.msk [tilespmem:v43+s20+$0x0], $0xffff  }
0xb2: {  	v46 =	vadd.s32 $0xA, v10;
	v11 =	vadd.f32 v16, v11  }
0xb3: {  	v14 =	vld.idx.msk [tilespmem:v44+s20+$0x0], $0xffff  }
0xb4: {  	v48 =	vadd.s32 $0xB, v10;
	v47 =	vld.idx.msk [tilespmem:v1+s15+$0x0], $0xffff;
	v11 =	vadd.f32 v13, v11  }
0xb5: {  	v15 =	vld.idx.msk [tilespmem:v45+s20+$0x0], $0xffff  }
0xb6: {  	v50 =	vadd.s32 $0xC, v10;
	v49 =	vld.idx.msk [tilespmem:v2+s15+$0x0], $0xffff;
	v11 =	vadd.f32 v12, v11  }
0xb7: {  	v16 =	vld.idx.msk [tilespmem:v46+s20+$0x0], $0xffff  }
0xb8: {  	v52 =	vadd.s32 $0xD, v10;
	v51 =	vld.idx.msk [tilespmem:v3+s15+$0x0], $0xffff;
	v11 =	vadd.f32 v14, v11  }
0xb9: {  	v13 =	vld.idx.msk [tilespmem:v48+s20+$0x0], $0xffff  }
0xba: {  	v54 =	vadd.s32 $0xE, v10;
	v53 =	vld.idx.msk [tilespmem:v4+s15+$0x0], $0xffff;
	v17 =	vadd.f32 $0.0e+00, v47;
	v11 =	vadd.f32 v15, v11  }
0xbb: {  	v12 =	vld.idx.msk [tilespmem:v50+s20+$0x0], $0xffff  }
0xbc: {  	v56 =	vadd.s32 $0xF, v10;
	v55 =	vld.idx.msk [tilespmem:v5+s15+$0x0], $0xffff;
	v17 =	vadd.f32 v49, v17;
	v11 =	vadd.f32 v16, v11  }
0xbd: {  	v14 =	vld.idx.msk [tilespmem:v52+s20+$0x0], $0xffff  }
0xbe: {  	v58 =	vadd.s32 $0x10, v10;
	v57 =	vld.idx.msk [tilespmem:v6+s15+$0x0], $0xffff;
	v17 =	vadd.f32 v51, v17;
	v11 =	vadd.f32 v13, v11  }
0xbf: {  	v21 =	vadd.s32 $0x8, v1;
	v15 =	vld.idx.msk [tilespmem:v54+s20+$0x0], $0xffff  }
0xc0: {  	v60 =	vadd.s32 $0x11, v10;
	v59 =	vld.idx.msk [tilespmem:v7+s15+$0x0], $0xffff;
	v17 =	vadd.f32 v53, v17;
	v11 =	vadd.f32 v12, v11  }
0xc1: {  	v22 =	vadd.s32 $0x9, v1;
	v16 =	vld.idx.msk [tilespmem:v56+s20+$0x0], $0xffff  }
0xc2: {  	v62 =	vadd.s32 $0x12, v10;
	v61 =	vld.idx.msk [tilespmem:v8+s15+$0x0], $0xffff;
	v17 =	vadd.f32 v55, v17;
	v11 =	vadd.f32 v14, v11  }
0xc3: {  	v23 =	vadd.s32 $0xA, v1;
	v13 =	vld.idx.msk [tilespmem:v58+s20+$0x0], $0xffff  }
0xc4: {  	v24 =	vadd.s32 $0x13, v10;
	v63 =	vld.idx.msk [tilespmem:v21+s15+$0x0], $0xffff;
	v17 =	vadd.f32 v57, v17;
	v11 =	vadd.f32 v15, v11  }
0xc5: {  	v25 =	vadd.s32 $0xB, v1;
	v12 =	vld.idx.msk [tilespmem:v60+s20+$0x0], $0xffff  }
0xc6: {  	v27 =	vadd.s32 $0x14, v10;
	v26 =	vld.idx.msk [tilespmem:v22+s15+$0x0], $0xffff;
	v17 =	vadd.f32 v59, v17;
	v11 =	vadd.f32 v16, v11  }
0xc7: {  	v28 =	vadd.s32 $0xC, v1;
	v14 =	vld.idx.msk [tilespmem:v62+s20+$0x0], $0xffff  }
0xc8: {  	v30 =	vadd.s32 $0x15, v10;
	v29 =	vld.idx.msk [tilespmem:v23+s15+$0x0], $0xffff;
	v17 =	vadd.f32 v61, v17;
	v11 =	vadd.f32 v13, v11  }
0xc9: {  	v31 =	vadd.s32 $0xD, v1;
	v15 =	vld.idx.msk [tilespmem:v24+s20+$0x0], $0xffff  }
0xca: {  	v33 =	vadd.s32 $0x16, v10;
	v32 =	vld.idx.msk [tilespmem:v25+s15+$0x0], $0xffff;
	v17 =	vadd.f32 v63, v17;
	v11 =	vadd.f32 v12, v11  }
0xcb: {  	v34 =	vadd.s32 $0xE, v1;
	v16 =	vld.idx.msk [tilespmem:v27+s20+$0x0], $0xffff  }
0xcc: {  	v36 =	vadd.s32 $0x17, v10;
	v35 =	vld.idx.msk [tilespmem:v28+s15+$0x0], $0xffff;
	v17 =	vadd.f32 v26, v17;
	v11 =	vadd.f32 v14, v11  }
0xcd: {  	v37 =	vadd.s32 $0xF, v1;
	v13 =	vld.idx.msk [tilespmem:v30+s20+$0x0], $0xffff  }
0xce: {  	v39 =	vadd.s32 $0x18, v10;
	v38 =	vld.idx.msk [tilespmem:v31+s15+$0x0], $0xffff;
	v17 =	vadd.f32 v29, v17;
	v11 =	vadd.f32 v15, v11  }
0xcf: {  	v12 =	vld.idx.msk [tilespmem:v33+s20+$0x0], $0xffff  }
0xd0: {  	v40 =	vld.idx.msk [tilespmem:v34+s15+$0x0], $0xffff;
	v41 =	vadd.s32 $0x19, v10;
	v17 =	vadd.f32 v32, v17;
	v11 =	vadd.f32 v16, v11  }
0xd1: {  	v14 =	vld.idx.msk [tilespmem:v36+s20+$0x0], $0xffff  }
0xd2: {  	v42 =	vld.idx.msk [tilespmem:v37+s15+$0x0], $0xffff;
	v17 =	vadd.f32 v35, v17;
	v11 =	vadd.f32 v13, v11  }
0xd3: {  	v43 =	vld.idx.msk [tilespmem:v39+s20+$0x0], $0xffff  }
0xd4: {  	v44 =	vadd.f32 v38, v17;
	v11 =	vadd.f32 v12, v11  }
0xd5: {  	v45 =	vld.idx.msk [tilespmem:v41+s20+$0x0], $0xffff  }
0xd6: {  	v15 =	vadd.f32 v40, v44;
	v11 =	vadd.f32 v14, v11;
	_ =	sdelay $0x1  }
0xd7: {  	v46 =	vadd.f32 v42, v15;
	v11 =	vadd.f32 v43, v11;
	_ =	sdelay $0x1  }
0xd8: {  	v47 =	vmul.f32 $5.000000000e-01, v46;
	v11 =	vadd.f32 v45, v11;
	_ =	sdelay $0x1  }
0xd9: {  	v11 =	vadd.f32 v11, v47;
	_ =	sdelay $0x1  }
0xda: {  	v11 =	vadd.f32 v11, v9;
	_ =	sdelay $0x1  }
0xdb: {  	v11 =	vsub.f32 $0.0e+00, v11;
	_ =	sdelay $0x1  }
0xdc: {  	v11 =	vmul.f32 $1.442695020e+00, v11;
	_ =	sdelay $0x1  }
0xdd: {  	(erf) = vpow2.f32 v11;
	_ =	sdelay $0x8  }
0xde: {  	v11 =	vpop (erf)  }
0xdf: {  	v11 =	vadd.f32 $1.000000000e+00, v11;
	_ =	sdelay $0x1  }
0xe0: {  	(erf) = vrcp.f32 v11;
	_ =	sdelay $0x7  }
0xe1: {  	v11 =	vadd.s32 $0x1A0, v10  }
0xe2: {  	v48 =	vpop (erf)  }
0xe3: {  	s19 =	sshll.u32 s19, $0x5;
	v49 =	vadd.s32 $0x1A1, v10;
	v12 =	vmul.f32 $5.500000000e+00, v48  }
0xe4: {  	s19 =	sand.u32 $0x3FFFFFE0, s19  }
0xe5: {  	v50 =	vadd.s32 $0x1A2, v10;
	[tilespmem:s19+$0x10A80] =	vst v12  }
0xe6: {  	v11 =	vld.idx.msk [tilespmem:v11+s20+$0x0], $0xffff  }
0xe7: {  	v51 =	vadd.s32 $0x1A3, v10  }
0xe8: {  	v13 =	vld.idx.msk [tilespmem:v49+s20+$0x0], $0xffff  }
0xe9: {  	v52 =	vadd.s32 $0x1A4, v10  }
0xea: {  	v12 =	vld.idx.msk [tilespmem:v50+s20+$0x0], $0xffff  }
0xeb: {  	v53 =	vadd.s32 $0x1A5, v10;
	v11 =	vadd.f32 $0.0e+00, v11  }
0xec: {  	v14 =	vld.idx.msk [tilespmem:v51+s20+$0x0], $0xffff  }
0xed: {  	v54 =	vadd.s32 $0x1A6, v10;
	v11 =	vadd.f32 v13, v11  }
0xee: {  	v15 =	vld.idx.msk [tilespmem:v52+s20+$0x0], $0xffff  }
0xef: {  	v55 =	vadd.s32 $0x1A7, v10;
	v11 =	vadd.f32 v12, v11  }
0xf0: {  	v16 =	vld.idx.msk [tilespmem:v53+s20+$0x0], $0xffff  }
0xf1: {  	v56 =	vadd.s32 $0x1A8, v10;
	v11 =	vadd.f32 v14, v11  }
0xf2: {  	v57 =	vadd.s32 $0x180, v1;
	v13 =	vld.idx.msk [tilespmem:v54+s20+$0x0], $0xffff  }
0xf3: {  	v58 =	vadd.s32 $0x1A9, v10;
	v11 =	vadd.f32 v15, v11  }
0xf4: {  	v59 =	vadd.s32 $0x181, v1;
	v12 =	vld.idx.msk [tilespmem:v55+s20+$0x0], $0xffff  }
0xf5: {  	v60 =	vadd.s32 $0x1AA, v10;
	v11 =	vadd.f32 v16, v11  }
0xf6: {  	v61 =	vadd.s32 $0x182, v1;
	v14 =	vld.idx.msk [tilespmem:v56+s20+$0x0], $0xffff  }
0xf7: {  	v62 =	vadd.s32 $0x1AB, v10;
	v17 =	vld.idx.msk [tilespmem:v57+s15+$0x0], $0xffff;
	v11 =	vadd.f32 v13, v11  }
0xf8: {  	v63 =	vadd.s32 $0x183, v1;
	v15 =	vld.idx.msk [tilespmem:v58+s20+$0x0], $0xffff  }
0xf9: {  	v24 =	vadd.s32 $0x1AC, v10;
	v18 =	vld.idx.msk [tilespmem:v59+s15+$0x0], $0xffff;
	v11 =	vadd.f32 v12, v11  }
0xfa: {  	v25 =	vadd.s32 $0x184, v1;
	v16 =	vld.idx.msk [tilespmem:v60+s20+$0x0], $0xffff  }
0xfb: {  	v26 =	vadd.s32 $0x1AD, v10;
	v19 =	vld.idx.msk [tilespmem:v61+s15+$0x0], $0xffff;
	v11 =	vadd.f32 v14, v11  }
0xfc: {  	v27 =	vadd.s32 $0x185, v1;
	v13 =	vld.idx.msk [tilespmem:v62+s20+$0x0], $0xffff  }
0xfd: {  	v28 =	vadd.s32 $0x1AE, v10;
	v20 =	vld.idx.msk [tilespmem:v63+s15+$0x0], $0xffff;
	v17 =	vadd.f32 $0.0e+00, v17;
	v11 =	vadd.f32 v15, v11  }
0xfe: {  	v29 =	vadd.s32 $0x186, v1;
	v12 =	vld.idx.msk [tilespmem:v24+s20+$0x0], $0xffff  }
0xff: {  	v31 =	vadd.s32 $0x1AF, v10;
	v30 =	vld.idx.msk [tilespmem:v25+s15+$0x0], $0xffff;
	v17 =	vadd.f32 v18, v17;
	v11 =	vadd.f32 v16, v11  }
0x100: {  	v32 =	vadd.s32 $0x187, v1;
	v14 =	vld.idx.msk [tilespmem:v26+s20+$0x0], $0xffff  }
0x101: {  	v34 =	vadd.s32 $0x1B0, v10;
	v33 =	vld.idx.msk [tilespmem:v27+s15+$0x0], $0xffff;
	v17 =	vadd.f32 v19, v17;
	v11 =	vadd.f32 v13, v11  }
0x102: {  	v35 =	vadd.s32 $0x188, v1;
	v15 =	vld.idx.msk [tilespmem:v28+s20+$0x0], $0xffff  }
0x103: {  	v37 =	vadd.s32 $0x1B1, v10;
	v36 =	vld.idx.msk [tilespmem:v29+s15+$0x0], $0xffff;
	v17 =	vadd.f32 v20, v17;
	v11 =	vadd.f32 v12, v11  }
0x104: {  	v38 =	vadd.s32 $0x189, v1;
	v16 =	vld.idx.msk [tilespmem:v31+s20+$0x0], $0xffff  }
0x105: {  	v40 =	vadd.s32 $0x1B2, v10;
	v39 =	vld.idx.msk [tilespmem:v32+s15+$0x0], $0xffff;
	v17 =	vadd.f32 v30, v17;
	v11 =	vadd.f32 v14, v11  }
0x106: {  	v41 =	vadd.s32 $0x18A, v1;
	v13 =	vld.idx.msk [tilespmem:v34+s20+$0x0], $0xffff  }
0x107: {  	v43 =	vadd.s32 $0x1B3, v10;
	v42 =	vld.idx.msk [tilespmem:v35+s15+$0x0], $0xffff;
	v17 =	vadd.f32 v33, v17;
	v11 =	vadd.f32 v15, v11  }
0x108: {  	v44 =	vadd.s32 $0x18B, v1;
	v12 =	vld.idx.msk [tilespmem:v37+s20+$0x0], $0xffff  }
0x109: {  	v46 =	vadd.s32 $0x1B4, v10;
	v45 =	vld.idx.msk [tilespmem:v38+s15+$0x0], $0xffff;
	v17 =	vadd.f32 v36, v17;
	v11 =	vadd.f32 v16, v11  }
0x10a: {  	v47 =	vadd.s32 $0x18C, v1;
	v14 =	vld.idx.msk [tilespmem:v40+s20+$0x0], $0xffff  }
0x10b: {  	v48 =	vld.idx.msk [tilespmem:v41+s15+$0x0], $0xffff;
	v49 =	vadd.s32 $0x1B5, v10;
	v17 =	vadd.f32 v39, v17;
	v11 =	vadd.f32 v13, v11  }
0x10c: {  	v50 =	vadd.s32 $0x18D, v1;
	v15 =	vld.idx.msk [tilespmem:v43+s20+$0x0], $0xffff  }
0x10d: {  	v51 =	vld.idx.msk [tilespmem:v44+s15+$0x0], $0xffff;
	v52 =	vadd.s32 $0x1B6, v10;
	v17 =	vadd.f32 v42, v17;
	v11 =	vadd.f32 v12, v11  }
0x10e: {  	v53 =	vadd.s32 $0x18E, v1;
	v16 =	vld.idx.msk [tilespmem:v46+s20+$0x0], $0xffff  }
0x10f: {  	v54 =	vld.idx.msk [tilespmem:v47+s15+$0x0], $0xffff;
	v55 =	vadd.s32 $0x1B7, v10;
	v17 =	vadd.f32 v45, v17;
	v11 =	vadd.f32 v14, v11  }
0x110: {  	v56 =	vadd.s32 $0x18F, v1;
	v13 =	vld.idx.msk [tilespmem:v49+s20+$0x0], $0xffff  }
0x111: {  	v57 =	vld.idx.msk [tilespmem:v50+s15+$0x0], $0xffff;
	v58 =	vadd.s32 $0x1B8, v10;
	v17 =	vadd.f32 v48, v17;
	v11 =	vadd.f32 v15, v11  }
0x112: {  	v12 =	vld.idx.msk [tilespmem:v52+s20+$0x0], $0xffff  }
0x113: {  	v59 =	vld.idx.msk [tilespmem:v53+s15+$0x0], $0xffff;
	v10 =	vadd.s32 $0x1B9, v10;
	v17 =	vadd.f32 v51, v17;
	v11 =	vadd.f32 v16, v11  }
0x114: {  	v14 =	vld.idx.msk [tilespmem:v55+s20+$0x0], $0xffff  }
0x115: {  	v60 =	vld.idx.msk [tilespmem:v56+s15+$0x0], $0xffff;
	v17 =	vadd.f32 v54, v17;
	v11 =	vadd.f32 v13, v11  }
0x116: {  	v61 =	vld.idx.msk [tilespmem:v58+s20+$0x0], $0xffff  }
0x117: {  	v62 =	vadd.f32 v57, v17;
	v11 =	vadd.f32 v12, v11  }
0x118: {  	v10 =	vld.idx.msk [tilespmem:v10+s20+$0x0], $0xffff  }
0x119: {  	v63 =	vadd.f32 v59, v62;
	v11 =	vadd.f32 v14, v11;
	_ =	sdelay $0x1  }
0x11a: {  	v12 =	vadd.f32 v60, v63;
	v11 =	vadd.f32 v61, v11;
	_ =	sdelay $0x1  }
0x11b: {  	v10 =	vadd.f32 v10, v11;
	v11 =	vmul.f32 $5.000000000e-01, v12;
	_ =	sdelay $0x1  }
0x11c: {  	v10 =	vadd.f32 v10, v11;
	_ =	sdelay $0x1  }
0x11d: {  	v10 =	vadd.f32 v10, v9;
	_ =	sdelay $0x1  }
0x11e: {  	v10 =	vsub.f32 $0.0e+00, v10;
	_ =	sdelay $0x1  }
0x11f: {  	v10 =	vmul.f32 $1.442695020e+00, v10;
	_ =	sdelay $0x1  }
0x120: {  	(erf) = vpow2.f32 v10;
	_ =	sdelay $0x8  }
0x121: {  	v10 =	vpop (erf)  }
0x122: {  	v10 =	vadd.f32 $1.000000000e+00, v10;
	_ =	sdelay $0x1  }
0x123: {  	(erf) = vrcp.f32 v10;
	_ =	sdelay $0x6  }
0x124: {  	p1 =	sne.s32 s18, $0x10  }
.Ltmp1:
0x125: {  	_ = 	snop;
	(pc) =	sbr.rel @p1 .LBB2_2-.Ltmp1, $3  }
0x126: {  	v10 =	vpop (erf)  }
0x127: {  	v10 =	vmul.f32 $5.500000000e+00, v10;
	_ =	sdelay $0x1  }
0x128: {  	p0 =	por !p0, !p0;
	[tilespmem:s19+$0x10A90] =	vst v10;
	s19 =	smov.u32 s18  }
0x129: {  	s17 =	sadd.s32 $0x1, s17  }
0x12a: {  	p0 =	sne.s32 s17, s8  }
.Ltmp2:
0x12b: {  	_ = 	snop;
	(pc) =	sbr.rel @p0 .LBB2_1-.Ltmp2, $4  }
0x12c: {  	[hbm4b:s7+s2] =	stream.linear.scatter [tilespmem:s16], [sflag:$0x2], $0x200, $0x38;
	[tilespmem:$0x10F90] =	vst v63  }
0x12d: {  	_ =	swait.ge [sflag:s9], $0x200  }
0x12e: {  	[sflag:s9] =	ssyncset.done $0x0  }
0x12f: {  	[sflag:s9] =	ssyncadd.s32 $0xFFFFFE00  }
0x130: {  	_ =	sfence.sel $0x180000  }
0x131: {  	[bflag:$0x0] =	sbarrier.arrive $0xFFFF  }
0x132: {  	p0 =	sne.s32 s0, $0x0;
	_ =	strace $0x90000047  }
0x133: {  	s0 =	sadd.s32 @!p0 $0x100000, s1;
	[bflag:$0x2] =	sbarrier.arrive $0xFFFF  }
0x134: {  	[sflag:s0] =	ssyncadd.tile.s32 @!p0 $0x1;
	_ =	shalt  }
.Lfunc_end2:
_tile_overlayer_lowered:
.L_overlay_start_2:
0x135: {  	(tag) =	ssettag $0x2  }
0x136: {  	s0 =	rddreg [dreg:$0x0];
	s2 =	stileid.u32  }
0x137: {  	s1 =	rddreg [dreg:$0x1];
	p0 =	sne.s32 s2, $0x0  }
0x138: {  	s3 =	rddreg [dreg:$0x2];
	[bflag:$0x3] =	sbarrier.arrive $0xFFFF;
	s2 =	simm.s32 @!p0 $0x1C02  }
0x139: {  	[timem:s3], [sflag:s2] =	dma.local @!p0 [hbm:s0], s1  }
0x13a: {  	s0 =	simm.s32 @!p0 $0x2  }
0x13b: {  	_ =	swait.ge @!p0 [sflag:s0], s1  }
0x13c: {  	s1 =	ssub.s32 @!p0 $0x0, s1;
	[sflag:s0] =	ssyncset.done @!p0 $0x0  }
0x13d: {  	[sflag:s0] =	ssyncadd.s32 @!p0 s1  }
0x13e: {  	[bflag:$0x3] =	sbarrier.arrive $0xFFFF  }
0x13f: {  	_ =	shalt  }

</sc_bundles>
